<compile_context>
chip_gen: v7x
topology: tpu7x:2x2x1
jax: 0.10.2.dev20260603
libtpu: 0.0.44.dev20260713+nightly
codegen_flags: <defaults>
</compile_context>

<pallas_src>
import functools

import jax
import jax.numpy as jnp
from jax import lax
from jax.experimental import pallas as pl
from jax.experimental.pallas import tpu as pltpu
from jax.experimental.pallas import tpu_sc as plsc

B = 4
N = 307200
D = 16
NB_MATCH = 5000
NB_NONMATCH = 50000
NB_SAMPLE = NB_NONMATCH // NB_MATCH
ALPHA = 0.5
TOTAL = B * NB_NONMATCH
NW = 32
C = 320
CM = C // NB_SAMPLE
CPW = 20
ROWS_PER_W = C * CPW
PAD_TOTAL = NW * ROWS_PER_W
TBL = B * N
G = TBL // 8
MAXOFF = (B - 1) * N

_mesh = plsc.VectorSubcoreMesh(core_axis_name="c", subcore_axis_name="s")


@functools.partial(
    pl.kernel,
    mesh=_mesh,
    compiler_params=pltpu.CompilerParams(needs_layout_passes=False),
    out_type=jax.ShapeDtypeStruct((NW, 16), jnp.float32),
    scratch_types=[
        pltpu.VMEM((C,), jnp.int32),
        pltpu.VMEM((C,), jnp.int32),
        pltpu.VMEM((C,), jnp.int32),
        pltpu.VMEM((C,), jnp.int32),
        pltpu.VMEM((CM,), jnp.int32),
        pltpu.VMEM((CM,), jnp.int32),
        pltpu.VMEM((C, 128), jnp.float32),
        pltpu.VMEM((C, 128), jnp.float32),
        pltpu.VMEM((CM, 128), jnp.float32),
        pltpu.VMEM((16,), jnp.float32),
        pltpu.SemaphoreType.DMA,
    ],
)
def _triplet_sc(tblA, tblB, idxA_h, mB_h, idxBn_h, out_h,
                gA_v, wA_v, gBn_v, wBn_v, gBp_v, wBp_v,
                rA, rBn, rBp, accv, sem):
    wid = lax.axis_index("s") * 2 + lax.axis_index("c")

    def chunk_body(c, acc):
        s = pl.multiple_of(wid * ROWS_PER_W + c * C, C)
        sm = pl.multiple_of(s // NB_SAMPLE, CM)
        pltpu.sync_copy(idxA_h.at[pl.ds(s, C)], gA_v)
        pltpu.sync_copy(idxBn_h.at[pl.ds(s, C)], gBn_v)
        pltpu.sync_copy(mB_h.at[pl.ds(sm, CM)], gBp_v)

        def adj_body(j, carry):
            sl = pl.ds(j * 16, 16)
            iota = lax.iota(jnp.int32, 16)
            base = s + j * 16
            b0 = base // NB_NONMATCH
            r0 = base % NB_NONMATCH
            bump = jnp.where(iota >= NB_NONMATCH - r0, N, 0)
            off = jnp.minimum(b0 * N + bump, MAXOFF)
            va = gA_v[sl] + off
            wA_v[sl] = (va & 7) << 4
            gA_v[sl] = va >> 3
            vn = gBn_v[sl] + off
            wBn_v[sl] = (vn & 7) << 4
            gBn_v[sl] = vn >> 3
            return carry

        lax.fori_loop(0, C // 16, adj_body, 0)

        for j in range(CM // 16):
            sl = pl.ds(j * 16, 16)
            iota = lax.iota(jnp.int32, 16)
            basem = sm + j * 16
            b0 = basem // NB_MATCH
            r0 = basem % NB_MATCH
            bump = jnp.where(iota >= NB_MATCH - r0, N, 0)
            off = jnp.minimum(b0 * N + bump, MAXOFF)
            vp = gBp_v[sl] + off
            wBp_v[sl] = (vp & 7) << 4
            gBp_v[sl] = vp >> 3

        cpA = pltpu.async_copy(tblA.at[gA_v], rA, sem)
        cpBn = pltpu.async_copy(tblB.at[gBn_v], rBn, sem)
        cpBp = pltpu.async_copy(tblB.at[gBp_v], rBp, sem)
        cpA.wait()
        cpBn.wait()
        cpBp.wait()

        def row_body(i, a):
            iota = lax.iota(jnp.int32, 16)
            rvec = i * 16 + iota
            t0 = i * 16
            u0 = t0 // NB_SAMPLE
            ur = t0 % NB_SAMPLE
            uvec = (u0
                    + jnp.where(ur + iota >= NB_SAMPLE, 1, 0)
                    + jnp.where(ur + iota >= 2 * NB_SAMPLE, 1, 0))
            wA = wA_v[pl.ds(t0, 16)]
            wBn = wBn_v[pl.ds(t0, 16)]
            wBp = plsc.load_gather(wBp_v, [uvec])
            sacc = jnp.zeros((16,), jnp.float32)
            for dd in range(D):
                dv = (iota + dd) & 15
                aa = plsc.load_gather(rA, [rvec, wA + dv])
                bn = plsc.load_gather(rBn, [rvec, wBn + dv])
                bp = plsc.load_gather(rBp, [uvec, wBp + dv])
                sacc = sacc + (bn - bp) * (aa + aa - bp - bn)
            return a + jnp.maximum(sacc + ALPHA, 0.0)

        return lax.fori_loop(0, C // 16, row_body, acc)

    acc = lax.fori_loop(0, CPW, chunk_body, jnp.zeros((16,), jnp.float32))
    accv[...] = acc
    pltpu.sync_copy(accv, out_h.at[wid])


def kernel(outA, outB, matchA, matchB, nonMatchA, nonMatchB, device):
    tblA = outA.reshape(G, 128)
    tblB = outB.reshape(G, 128)
    idxA = jnp.pad(nonMatchA.reshape(-1), (0, PAD_TOTAL - TOTAL))
    idxBn = jnp.pad(nonMatchB.reshape(-1), (0, PAD_TOTAL - TOTAL))
    mB = jnp.pad(matchB.reshape(-1), (0, (PAD_TOTAL - TOTAL) // NB_SAMPLE))
    partials = _triplet_sc(tblA, tblB, idxA, mB, idxBn)
    pad_fix = 0.5 * (PAD_TOTAL - TOTAL)
    return (jnp.sum(partials) - pad_fix) / NB_MATCH

# --- scband reference (transcript-rebuilt; emitter-appended) ---
"""Pipeline reference for scband-triplet-loss-74749610819939 (READ-ONLY COPY).

The authoritative reference and input builder live on the scoring server;
editing this copy changes nothing except your own understanding.
"""

import jax, jax.numpy as jnp
import numpy as np

ALPHA = 0.5

def setup_inputs(seed: int = 0) -> dict:
    key = jax.random.key(seed)
    kA, kB, k1, k2, k3, k4 = jax.random.split(key, 6)
    B, N, D = 4, 307200, 16
    nbMatch, nbNonMatch = 5000, 50000
    outA = jax.random.normal(kA, (B, 1, N, D), dtype=jnp.float32)
    outB = jax.random.normal(kB, (B, 1, N, D), dtype=jnp.float32)
    matchA = jax.random.randint(k1, (B, nbMatch), 0, N, dtype=jnp.int32)
    matchB = jax.random.randint(k2, (B, nbMatch), 0, N, dtype=jnp.int32)
    nonMatchA = jax.random.randint(k3, (B, nbNonMatch), 0, N, dtype=jnp.int32)
    nonMatchB = jax.random.randint(k4, (B, nbNonMatch), 0, N, dtype=jnp.int32)
    return {"outA": outA, "outB": outB, "matchA": matchA, "matchB": matchB,
            "nonMatchA": nonMatchA, "nonMatchB": nonMatchB, "device": 0}

def reference(outA, outB, matchA, matchB, nonMatchA, nonMatchB, device):
    B = outA.shape[0]
    nbMatch = matchA.shape[1]
    nbNonMatch = nonMatchA.shape[1]
    nbSample = nbNonMatch // nbMatch
    tripletLossSum = jnp.float32(0.0)
    for b in range(B):
        # torch.t(matchB[b].repeat(nbSample, 1)).view(-1) == repeat each element nbSample times
        matchBLong = jnp.repeat(matchB[b], nbSample)
        # NOTE: original code gathers 'matchADes' with nonMatchA indices (kept faithfully)
        matchADes = jnp.take(outA[b], nonMatchA[b], axis=1)      # [1, nbNonMatch, D]
        matchBDes = jnp.take(outB[b], matchBLong, axis=1)        # [1, nbNonMatch, D]
        nonMatchBDes = jnp.take(outB[b], nonMatchB[b], axis=1)   # [1, nbNonMatch, D]
        # (a-b).norm(2, 2).pow(2) == sum of squares along dim 2
        d_pos = jnp.sum((matchADes - matchBDes) ** 2, axis=2)
        d_neg = jnp.sum((matchADes - nonMatchBDes) ** 2, axis=2)
        tripletLosses = d_pos - d_neg + ALPHA
        tripletLoss = (1.0 / nbMatch) * jnp.maximum(tripletLosses, 0.0).sum()
        tripletLossSum = tripletLossSum + tripletLoss
    return tripletLossSum

if __name__ == "__main__":
    import jax
    _d = setup_inputs()
    print(jax.jit(kernel)(*tuple(_d.values())))

</pallas_src>

<mosaic_0001>
#map = affine_map<(d0, d1) -> (0, 0)>
#map1 = affine_map<(d0, d1) -> (0)>
module attributes {stable_mosaic.version = 14 : i64} {
  func.func @_triplet_sc(%arg0: i32, %arg1: i32, %arg2: memref<153600x128xf32, #tpu.memory_space<hbm>>, %arg3: memref<153600x128xf32, #tpu.memory_space<hbm>>, %arg4: memref<204800xi32, #tpu.memory_space<hbm>>, %arg5: memref<20480xi32, #tpu.memory_space<hbm>>, %arg6: memref<204800xi32, #tpu.memory_space<hbm>>, %arg7: memref<32x16xf32, #tpu.memory_space<hbm>>, %arg8: memref<320xi32, #tpu.memory_space<vmem>>, %arg9: memref<320xi32, #tpu.memory_space<vmem>>, %arg10: memref<320xi32, #tpu.memory_space<vmem>>, %arg11: memref<320xi32, #tpu.memory_space<vmem>>, %arg12: memref<32xi32, #tpu.memory_space<vmem>>, %arg13: memref<32xi32, #tpu.memory_space<vmem>>, %arg14: memref<320x128xf32, #tpu.memory_space<vmem>>, %arg15: memref<320x128xf32, #tpu.memory_space<vmem>>, %arg16: memref<32x128xf32, #tpu.memory_space<vmem>>, %arg17: memref<16xf32, #tpu.memory_space<vmem>>, %arg18: memref<!tpu.dma_semaphore, #tpu.memory_space<semaphore_mem>>) attributes {dimension_semantics = [#tpu.dimension_semantics<core_parallel>, #tpu.dimension_semantics<subcore_parallel>], iteration_bounds = array<i64: 2, 16>, scalar_prefetch = 0 : i64, scratch_operands = 11 : i64, tpu.core_type = #tpu.core_type<sc_vector_subcore>, window_params = [{transform_indices = #map}, {transform_indices = #map}, {transform_indices = #map1}, {transform_indices = #map1}, {transform_indices = #map1}, {transform_indices = #map}]} {
    %mul3A = arith.constant 2 : i32
    %mul3A_0 = arith.muli %arg1, %mul3A : i32
    %add3A = arith.addi %mul3A_0, %arg0 : i32
    %broadcast_in_dim3A = arith.constant 0.000000e+00 : f32
    %broadcast_in_dim3A_1 = vector.broadcast %broadcast_in_dim3A : f32 to vector<16xf32>
    %scan3A = arith.constant 0 : i32
    %scan3A_2 = arith.constant 20 : i32
    %scan3A_3 = arith.addi %scan3A, %scan3A_2 : i32
    %scan3A_4 = arith.constant 1 : i32
    %scan3A_5 = scf.for %scan3A_8 = %scan3A to %scan3A_3 step %scan3A_4 iter_args(%scan3A_9 = %broadcast_in_dim3A_1) -> (vector<16xf32>)  : i32 {
      %mul3A_10 = arith.constant 6400 : i32
      %mul3A_11 = arith.muli %add3A, %mul3A_10 : i32
      %mul3A_12 = arith.constant 320 : i32
      %mul3A_13 = arith.muli %scan3A_8, %mul3A_12 : i32
      %add3A_14 = arith.addi %mul3A_11, %mul3A_13 : i32
      %multiple_of3A = tpu.assume_multiple %add3A_14, 320 : i32
      %jit3A = arith.constant 10 : i32
      %div3A = arith.divsi %multiple_of3A, %jit3A : i32
      %sign3A = arith.constant 0 : i32
      %sign3A_15 = arith.cmpi sgt, %multiple_of3A, %sign3A : i32
      %sign3A_16 = arith.extui %sign3A_15 : i1 to i32
      %sign3A_17 = arith.constant 0 : i32
      %sign3A_18 = arith.cmpi slt, %multiple_of3A, %sign3A_17 : i32
      %sign3A_19 = arith.extui %sign3A_18 : i1 to i32
      %sign3A_20 = arith.subi %sign3A_16, %sign3A_19 : i32
      %sign3A_21 = arith.constant 0 : i32
      %sign3A_22 = arith.cmpi sgt, %jit3A, %sign3A_21 : i32
      %sign3A_23 = arith.extui %sign3A_22 : i1 to i32
      %sign3A_24 = arith.constant 0 : i32
      %sign3A_25 = arith.cmpi slt, %jit3A, %sign3A_24 : i32
      %sign3A_26 = arith.extui %sign3A_25 : i1 to i32
      %sign3A_27 = arith.subi %sign3A_23, %sign3A_26 : i32
      %ne3A = arith.cmpi ne, %sign3A_20, %sign3A_27 : i32
      %rem3A = arith.remsi %multiple_of3A, %jit3A : i32
      %ne3A_28 = arith.constant 0 : i32
      %ne3A_29 = arith.cmpi ne, %rem3A, %ne3A_28 : i32
      %and3A = arith.andi %ne3A, %ne3A_29 : i1
      %sub3A = arith.constant 1 : i32
      %sub3A_30 = arith.subi %div3A, %sub3A : i32
      %select_n3A = arith.select %and3A, %sub3A_30, %div3A : i32
      %multiple_of3A_31 = tpu.assume_multiple %select_n3A, 32 : i32
      "tpu.region"() ({
        %run_scoped3A = tpu.sem_alloc : memref<!tpu.dma_semaphore, #tpu.memory_space<semaphore_mem>>
        %dma_start3A_202 = tpu.memref_slice %arg4[%multiple_of3A] : memref<204800xi32, #tpu.memory_space<hbm>> -> memref<320xi32, #tpu.memory_space<hbm>>
        %dma_start3A_203 = tpu.memref_slice %arg4[%multiple_of3A] : memref<204800xi32, #tpu.memory_space<hbm>> -> memref<320xi32, #tpu.memory_space<hbm>>
        tpu.enqueue_dma source(%dma_start3A_203 : memref<320xi32, #tpu.memory_space<hbm>>) target(%arg8 : memref<320xi32, #tpu.memory_space<vmem>>) target_semaphore(%run_scoped3A : memref<!tpu.dma_semaphore, #tpu.memory_space<semaphore_mem>>)
        %dma_wait3A_204 = tpu.memref_slice %arg4[%multiple_of3A] : memref<204800xi32, #tpu.memory_space<hbm>> -> memref<320xi32, #tpu.memory_space<hbm>>
        %dma_wait3A_205 = tpu.memref_slice %arg4[%multiple_of3A] : memref<204800xi32, #tpu.memory_space<hbm>> -> memref<320xi32, #tpu.memory_space<hbm>>
        tpu.wait_dma2 semaphore(%run_scoped3A : memref<!tpu.dma_semaphore, #tpu.memory_space<semaphore_mem>>) src(%dma_wait3A_205 : memref<320xi32, #tpu.memory_space<hbm>>) dst(%arg8 : memref<320xi32, #tpu.memory_space<vmem>>)
        tpu.yield
      }) : () -> ()
      "tpu.region"() ({
        %run_scoped3A = tpu.sem_alloc : memref<!tpu.dma_semaphore, #tpu.memory_space<semaphore_mem>>
        %dma_start3A_202 = tpu.memref_slice %arg6[%multiple_of3A] : memref<204800xi32, #tpu.memory_space<hbm>> -> memref<320xi32, #tpu.memory_space<hbm>>
        %dma_start3A_203 = tpu.memref_slice %arg6[%multiple_of3A] : memref<204800xi32, #tpu.memory_space<hbm>> -> memref<320xi32, #tpu.memory_space<hbm>>
        tpu.enqueue_dma source(%dma_start3A_203 : memref<320xi32, #tpu.memory_space<hbm>>) target(%arg10 : memref<320xi32, #tpu.memory_space<vmem>>) target_semaphore(%run_scoped3A : memref<!tpu.dma_semaphore, #tpu.memory_space<semaphore_mem>>)
        %dma_wait3A_204 = tpu.memref_slice %arg6[%multiple_of3A] : memref<204800xi32, #tpu.memory_space<hbm>> -> memref<320xi32, #tpu.memory_space<hbm>>
        %dma_wait3A_205 = tpu.memref_slice %arg6[%multiple_of3A] : memref<204800xi32, #tpu.memory_space<hbm>> -> memref<320xi32, #tpu.memory_space<hbm>>
        tpu.wait_dma2 semaphore(%run_scoped3A : memref<!tpu.dma_semaphore, #tpu.memory_space<semaphore_mem>>) src(%dma_wait3A_205 : memref<320xi32, #tpu.memory_space<hbm>>) dst(%arg10 : memref<320xi32, #tpu.memory_space<vmem>>)
        tpu.yield
      }) : () -> ()
      "tpu.region"() ({
        %run_scoped3A = tpu.sem_alloc : memref<!tpu.dma_semaphore, #tpu.memory_space<semaphore_mem>>
        %dma_start3A_202 = tpu.memref_slice %arg5[%multiple_of3A_31] : memref<20480xi32, #tpu.memory_space<hbm>> -> memref<32xi32, #tpu.memory_space<hbm>>
        %dma_start3A_203 = tpu.memref_slice %arg5[%multiple_of3A_31] : memref<20480xi32, #tpu.memory_space<hbm>> -> memref<32xi32, #tpu.memory_space<hbm>>
        tpu.enqueue_dma source(%dma_start3A_203 : memref<32xi32, #tpu.memory_space<hbm>>) target(%arg12 : memref<32xi32, #tpu.memory_space<vmem>>) target_semaphore(%run_scoped3A : memref<!tpu.dma_semaphore, #tpu.memory_space<semaphore_mem>>)
        %dma_wait3A_204 = tpu.memref_slice %arg5[%multiple_of3A_31] : memref<20480xi32, #tpu.memory_space<hbm>> -> memref<32xi32, #tpu.memory_space<hbm>>
        %dma_wait3A_205 = tpu.memref_slice %arg5[%multiple_of3A_31] : memref<20480xi32, #tpu.memory_space<hbm>> -> memref<32xi32, #tpu.memory_space<hbm>>
        tpu.wait_dma2 semaphore(%run_scoped3A : memref<!tpu.dma_semaphore, #tpu.memory_space<semaphore_mem>>) src(%dma_wait3A_205 : memref<32xi32, #tpu.memory_space<hbm>>) dst(%arg12 : memref<32xi32, #tpu.memory_space<vmem>>)
        tpu.yield
      }) : () -> ()
      %scan3A_32 = arith.constant 0 : i32
      %scan3A_33 = arith.constant 0 : i32
      %scan3A_34 = arith.constant 20 : i32
      %scan3A_35 = arith.addi %scan3A_33, %scan3A_34 : i32
      %scan3A_36 = arith.constant 1 : i32
      scf.for %scan3A_202 = %scan3A_33 to %scan3A_35 step %scan3A_36  : i32 {
        %mul3A_203 = arith.constant 16 : i32
        %mul3A_204 = arith.muli %scan3A_202, %mul3A_203 : i32
        %iota3A_205 = tpu.iota {dimensions = array<i32: 0>} : vector<16xi32>
        %mul3A_206 = arith.constant 16 : i32
        %mul3A_207 = arith.muli %scan3A_202, %mul3A_206 : i32
        %add3A_208 = arith.addi %multiple_of3A, %mul3A_207 : i32
        %jit3A_209 = arith.constant 50000 : i32
        %div3A_210 = arith.divsi %add3A_208, %jit3A_209 : i32
        %sign3A_211 = arith.constant 0 : i32
        %sign3A_212 = arith.cmpi sgt, %add3A_208, %sign3A_211 : i32
        %sign3A_213 = arith.extui %sign3A_212 : i1 to i32
        %sign3A_214 = arith.constant 0 : i32
        %sign3A_215 = arith.cmpi slt, %add3A_208, %sign3A_214 : i32
        %sign3A_216 = arith.extui %sign3A_215 : i1 to i32
        %sign3A_217 = arith.subi %sign3A_213, %sign3A_216 : i32
        %sign3A_218 = arith.constant 0 : i32
        %sign3A_219 = arith.cmpi sgt, %jit3A_209, %sign3A_218 : i32
        %sign3A_220 = arith.extui %sign3A_219 : i1 to i32
        %sign3A_221 = arith.constant 0 : i32
        %sign3A_222 = arith.cmpi slt, %jit3A_209, %sign3A_221 : i32
        %sign3A_223 = arith.extui %sign3A_222 : i1 to i32
        %sign3A_224 = arith.subi %sign3A_220, %sign3A_223 : i32
        %ne3A_225 = arith.cmpi ne, %sign3A_217, %sign3A_224 : i32
        %rem3A_226 = arith.remsi %add3A_208, %jit3A_209 : i32
        %ne3A_227 = arith.constant 0 : i32
        %ne3A_228 = arith.cmpi ne, %rem3A_226, %ne3A_227 : i32
        %and3A_229 = arith.andi %ne3A_225, %ne3A_228 : i1
        %sub3A_230 = arith.constant 1 : i32
        %sub3A_231 = arith.subi %div3A_210, %sub3A_230 : i32
        %select_n3A_232 = arith.select %and3A_229, %sub3A_231, %div3A_210 : i32
        %jit3A_233 = arith.constant 50000 : i32
        %eq3A_234 = arith.constant 0 : i32
        %eq3A_235 = arith.cmpi eq, %jit3A_233, %eq3A_234 : i32
        %jit3A_236 = arith.constant 1 : i32
        %select_n3A_237 = arith.select %eq3A_235, %jit3A_236, %jit3A_233 : i32
        %rem3A_238 = arith.remsi %add3A_208, %select_n3A_237 : i32
        %ne3A_239 = arith.constant 0 : i32
        %ne3A_240 = arith.cmpi ne, %rem3A_238, %ne3A_239 : i32
        %lt3A_241 = arith.constant 0 : i32
        %lt3A_242 = arith.cmpi slt, %rem3A_238, %lt3A_241 : i32
        %lt3A_243 = arith.constant 0 : i32
        %lt3A_244 = arith.cmpi slt, %select_n3A_237, %lt3A_243 : i32
        %ne3A_245 = arith.xori %lt3A_242, %lt3A_244 : i1
        %and3A_246 = arith.andi %ne3A_245, %ne3A_240 : i1
        %add3A_247 = arith.addi %rem3A_238, %select_n3A_237 : i32
        %select_n3A_248 = arith.select %and3A_246, %add3A_247, %rem3A_238 : i32
        %sub3A_249 = arith.constant 50000 : i32
        %sub3A_250 = arith.subi %sub3A_249, %select_n3A_248 : i32
        %ge3A_251 = vector.broadcast %sub3A_250 : i32 to vector<16xi32>
        %ge3A_252 = arith.cmpi sge, %iota3A_205, %ge3A_251 : vector<16xi32>
        %jit3A_253 = arith.constant 307200 : i32
        %jit3A_254 = arith.constant 0 : i32
        %broadcast_in_dim3A_255 = vector.broadcast %jit3A_253 : i32 to vector<16xi32>
        %broadcast_in_dim3A_256 = vector.broadcast %jit3A_254 : i32 to vector<16xi32>
        %select_n3A_257 = arith.select %ge3A_252, %broadcast_in_dim3A_255, %broadcast_in_dim3A_256 : vector<16xi1>, vector<16xi32>
        %mul3A_258 = arith.constant 307200 : i32
        %mul3A_259 = arith.muli %select_n3A_232, %mul3A_258 : i32
        %add3A_260 = vector.broadcast %mul3A_259 : i32 to vector<16xi32>
        %add3A_261 = arith.addi %add3A_260, %select_n3A_257 : vector<16xi32>
        %min3A_262 = arith.constant 921600 : i32
        %min3A_263 = vector.broadcast %min3A_262 : i32 to vector<16xi32>
        %min3A_264 = arith.minsi %add3A_261, %min3A_263 : vector<16xi32>
        %get3A_265 = arith.index_cast %mul3A_204 : i32 to index
        %get3A_266 = tpu.vector_load %arg8[%get3A_265] {strides = array<i32>} : memref<320xi32, #tpu.memory_space<vmem>>, vector<16xi32>,
        %add3A_267 = arith.addi %get3A_266, %min3A_264 : vector<16xi32>
        %and3A_268 = arith.constant 7 : i32
        %and3A_269 = vector.broadcast %and3A_268 : i32 to vector<16xi32>
        %and3A_270 = arith.andi %add3A_267, %and3A_269 : vector<16xi32>
        %shift_left3A_271 = arith.constant 4 : i32
        %shift_left3A_272 = vector.broadcast %shift_left3A_271 : i32 to vector<16xi32>
        %shift_left3A_273 = arith.shli %and3A_270, %shift_left3A_272 : vector<16xi32>
        %swap3A_274 = arith.index_cast %mul3A_204 : i32 to index
        %swap3A_275 = tpu.vector_load %arg9[%swap3A_274] {strides = array<i32>} : memref<320xi32, #tpu.memory_space<vmem>>, vector<16xi32>,
        tpu.vector_store %arg9[%swap3A_274], %shift_left3A_273 {strides = array<i32>} : memref<320xi32, #tpu.memory_space<vmem>>, vector<16xi32>,
        %shift_right_arithmetic3A_276 = arith.constant 3 : i32
        %shift_right_arithmetic3A_277 = vector.broadcast %shift_right_arithmetic3A_276 : i32 to vector<16xi32>
        %shift_right_arithmetic3A_278 = arith.shrsi %add3A_267, %shift_right_arithmetic3A_277 : vector<16xi32>
        %swap3A_279 = arith.index_cast %mul3A_204 : i32 to index
        %swap3A_280 = tpu.vector_load %arg8[%swap3A_279] {strides = array<i32>} : memref<320xi32, #tpu.memory_space<vmem>>, vector<16xi32>,
        tpu.vector_store %arg8[%swap3A_279], %shift_right_arithmetic3A_278 {strides = array<i32>} : memref<320xi32, #tpu.memory_space<vmem>>, vector<16xi32>,
        %get3A_281 = arith.index_cast %mul3A_204 : i32 to index
        %get3A_282 = tpu.vector_load %arg10[%get3A_281] {strides = array<i32>} : memref<320xi32, #tpu.memory_space<vmem>>, vector<16xi32>,
        %add3A_283 = arith.addi %get3A_282, %min3A_264 : vector<16xi32>
        %and3A_284 = arith.constant 7 : i32
        %and3A_285 = vector.broadcast %and3A_284 : i32 to vector<16xi32>
        %and3A_286 = arith.andi %add3A_283, %and3A_285 : vector<16xi32>
        %shift_left3A_287 = arith.constant 4 : i32
        %shift_left3A_288 = vector.broadcast %shift_left3A_287 : i32 to vector<16xi32>
        %shift_left3A_289 = arith.shli %and3A_286, %shift_left3A_288 : vector<16xi32>
        %swap3A_290 = arith.index_cast %mul3A_204 : i32 to index
        %swap3A_291 = tpu.vector_load %arg11[%swap3A_290] {strides = array<i32>} : memref<320xi32, #tpu.memory_space<vmem>>, vector<16xi32>,
        tpu.vector_store %arg11[%swap3A_290], %shift_left3A_289 {strides = array<i32>} : memref<320xi32, #tpu.memory_space<vmem>>, vector<16xi32>,
        %shift_right_arithmetic3A_292 = arith.constant 3 : i32
        %shift_right_arithmetic3A_293 = vector.broadcast %shift_right_arithmetic3A_292 : i32 to vector<16xi32>
        %shift_right_arithmetic3A_294 = arith.shrsi %add3A_283, %shift_right_arithmetic3A_293 : vector<16xi32>
        %swap3A_295 = arith.index_cast %mul3A_204 : i32 to index
        %swap3A_296 = tpu.vector_load %arg10[%swap3A_295] {strides = array<i32>} : memref<320xi32, #tpu.memory_space<vmem>>, vector<16xi32>,
        tpu.vector_store %arg10[%swap3A_295], %shift_right_arithmetic3A_294 {strides = array<i32>} : memref<320xi32, #tpu.memory_space<vmem>>, vector<16xi32>,
      }
      %scan3A_37 = arith.constant 20 : i32
      %iota3A = tpu.iota {dimensions = array<i32: 0>} : vector<16xi32>
      %add3A_38 = arith.constant 0 : i32
      %add3A_39 = arith.addi %multiple_of3A_31, %add3A_38 : i32
      %jit3A_40 = arith.constant 5000 : i32
      %div3A_41 = arith.divsi %add3A_39, %jit3A_40 : i32
      %sign3A_42 = arith.constant 0 : i32
      %sign3A_43 = arith.cmpi sgt, %add3A_39, %sign3A_42 : i32
      %sign3A_44 = arith.extui %sign3A_43 : i1 to i32
      %sign3A_45 = arith.constant 0 : i32
      %sign3A_46 = arith.cmpi slt, %add3A_39, %sign3A_45 : i32
      %sign3A_47 = arith.extui %sign3A_46 : i1 to i32
      %sign3A_48 = arith.subi %sign3A_44, %sign3A_47 : i32
      %sign3A_49 = arith.constant 0 : i32
      %sign3A_50 = arith.cmpi sgt, %jit3A_40, %sign3A_49 : i32
      %sign3A_51 = arith.extui %sign3A_50 : i1 to i32
      %sign3A_52 = arith.constant 0 : i32
      %sign3A_53 = arith.cmpi slt, %jit3A_40, %sign3A_52 : i32
      %sign3A_54 = arith.extui %sign3A_53 : i1 to i32
      %sign3A_55 = arith.subi %sign3A_51, %sign3A_54 : i32
      %ne3A_56 = arith.cmpi ne, %sign3A_48, %sign3A_55 : i32
      %rem3A_57 = arith.remsi %add3A_39, %jit3A_40 : i32
      %ne3A_58 = arith.constant 0 : i32
      %ne3A_59 = arith.cmpi ne, %rem3A_57, %ne3A_58 : i32
      %and3A_60 = arith.andi %ne3A_56, %ne3A_59 : i1
      %sub3A_61 = arith.constant 1 : i32
      %sub3A_62 = arith.subi %div3A_41, %sub3A_61 : i32
      %select_n3A_63 = arith.select %and3A_60, %sub3A_62, %div3A_41 : i32
      %jit3A_64 = arith.constant 5000 : i32
      %eq3A = arith.constant 0 : i32
      %eq3A_65 = arith.cmpi eq, %jit3A_64, %eq3A : i32
      %jit3A_66 = arith.constant 1 : i32
      %select_n3A_67 = arith.select %eq3A_65, %jit3A_66, %jit3A_64 : i32
      %rem3A_68 = arith.remsi %add3A_39, %select_n3A_67 : i32
      %ne3A_69 = arith.constant 0 : i32
      %ne3A_70 = arith.cmpi ne, %rem3A_68, %ne3A_69 : i32
      %lt3A = arith.constant 0 : i32
      %lt3A_71 = arith.cmpi slt, %rem3A_68, %lt3A : i32
      %lt3A_72 = arith.constant 0 : i32
      %lt3A_73 = arith.cmpi slt, %select_n3A_67, %lt3A_72 : i32
      %ne3A_74 = arith.xori %lt3A_71, %lt3A_73 : i1
      %and3A_75 = arith.andi %ne3A_74, %ne3A_70 : i1
      %add3A_76 = arith.addi %rem3A_68, %select_n3A_67 : i32
      %select_n3A_77 = arith.select %and3A_75, %add3A_76, %rem3A_68 : i32
      %sub3A_78 = arith.constant 5000 : i32
      %sub3A_79 = arith.subi %sub3A_78, %select_n3A_77 : i32
      %ge3A = vector.broadcast %sub3A_79 : i32 to vector<16xi32>
      %ge3A_80 = arith.cmpi sge, %iota3A, %ge3A : vector<16xi32>
      %jit3A_81 = arith.constant 307200 : i32
      %jit3A_82 = arith.constant 0 : i32
      %broadcast_in_dim3A_83 = vector.broadcast %jit3A_81 : i32 to vector<16xi32>
      %broadcast_in_dim3A_84 = vector.broadcast %jit3A_82 : i32 to vector<16xi32>
      %select_n3A_85 = arith.select %ge3A_80, %broadcast_in_dim3A_83, %broadcast_in_dim3A_84 : vector<16xi1>, vector<16xi32>
      %mul3A_86 = arith.constant 307200 : i32
      %mul3A_87 = arith.muli %select_n3A_63, %mul3A_86 : i32
      %add3A_88 = vector.broadcast %mul3A_87 : i32 to vector<16xi32>
      %add3A_89 = arith.addi %add3A_88, %select_n3A_85 : vector<16xi32>
      %min3A = arith.constant 921600 : i32
      %min3A_90 = vector.broadcast %min3A : i32 to vector<16xi32>
      %min3A_91 = arith.minsi %add3A_89, %min3A_90 : vector<16xi32>
      %get3A = arith.constant 0 : index
      %get3A_92 = tpu.vector_load %arg12[%get3A] {strides = array<i32>} : memref<32xi32, #tpu.memory_space<vmem>>, vector<16xi32>,
      %add3A_93 = arith.addi %get3A_92, %min3A_91 : vector<16xi32>
      %and3A_94 = arith.constant 7 : i32
      %and3A_95 = vector.broadcast %and3A_94 : i32 to vector<16xi32>
      %and3A_96 = arith.andi %add3A_93, %and3A_95 : vector<16xi32>
      %shift_left3A = arith.constant 4 : i32
      %shift_left3A_97 = vector.broadcast %shift_left3A : i32 to vector<16xi32>
      %shift_left3A_98 = arith.shli %and3A_96, %shift_left3A_97 : vector<16xi32>
      %swap3A_99 = arith.constant 0 : index
      %swap3A_100 = tpu.vector_load %arg13[%swap3A_99] {strides = array<i32>} : memref<32xi32, #tpu.memory_space<vmem>>, vector<16xi32>,
      tpu.vector_store %arg13[%swap3A_99], %shift_left3A_98 {strides = array<i32>} : memref<32xi32, #tpu.memory_space<vmem>>, vector<16xi32>,
      %shift_right_arithmetic3A = arith.constant 3 : i32
      %shift_right_arithmetic3A_101 = vector.broadcast %shift_right_arithmetic3A : i32 to vector<16xi32>
      %shift_right_arithmetic3A_102 = arith.shrsi %add3A_93, %shift_right_arithmetic3A_101 : vector<16xi32>
      %swap3A_103 = arith.constant 0 : index
      %swap3A_104 = tpu.vector_load %arg12[%swap3A_103] {strides = array<i32>} : memref<32xi32, #tpu.memory_space<vmem>>, vector<16xi32>,
      tpu.vector_store %arg12[%swap3A_103], %shift_right_arithmetic3A_102 {strides = array<i32>} : memref<32xi32, #tpu.memory_space<vmem>>, vector<16xi32>,
      %iota3A_105 = tpu.iota {dimensions = array<i32: 0>} : vector<16xi32>
      %add3A_106 = arith.constant 16 : i32
      %add3A_107 = arith.addi %multiple_of3A_31, %add3A_106 : i32
      %jit3A_108 = arith.constant 5000 : i32
      %div3A_109 = arith.divsi %add3A_107, %jit3A_108 : i32
      %sign3A_110 = arith.constant 0 : i32
      %sign3A_111 = arith.cmpi sgt, %add3A_107, %sign3A_110 : i32
      %sign3A_112 = arith.extui %sign3A_111 : i1 to i32
      %sign3A_113 = arith.constant 0 : i32
      %sign3A_114 = arith.cmpi slt, %add3A_107, %sign3A_113 : i32
      %sign3A_115 = arith.extui %sign3A_114 : i1 to i32
      %sign3A_116 = arith.subi %sign3A_112, %sign3A_115 : i32
      %sign3A_117 = arith.constant 0 : i32
      %sign3A_118 = arith.cmpi sgt, %jit3A_108, %sign3A_117 : i32
      %sign3A_119 = arith.extui %sign3A_118 : i1 to i32
      %sign3A_120 = arith.constant 0 : i32
      %sign3A_121 = arith.cmpi slt, %jit3A_108, %sign3A_120 : i32
      %sign3A_122 = arith.extui %sign3A_121 : i1 to i32
      %sign3A_123 = arith.subi %sign3A_119, %sign3A_122 : i32
      %ne3A_124 = arith.cmpi ne, %sign3A_116, %sign3A_123 : i32
      %rem3A_125 = arith.remsi %add3A_107, %jit3A_108 : i32
      %ne3A_126 = arith.constant 0 : i32
      %ne3A_127 = arith.cmpi ne, %rem3A_125, %ne3A_126 : i32
      %and3A_128 = arith.andi %ne3A_124, %ne3A_127 : i1
      %sub3A_129 = arith.constant 1 : i32
      %sub3A_130 = arith.subi %div3A_109, %sub3A_129 : i32
      %select_n3A_131 = arith.select %and3A_128, %sub3A_130, %div3A_109 : i32
      %jit3A_132 = arith.constant 5000 : i32
      %eq3A_133 = arith.constant 0 : i32
      %eq3A_134 = arith.cmpi eq, %jit3A_132, %eq3A_133 : i32
      %jit3A_135 = arith.constant 1 : i32
      %select_n3A_136 = arith.select %eq3A_134, %jit3A_135, %jit3A_132 : i32
      %rem3A_137 = arith.remsi %add3A_107, %select_n3A_136 : i32
      %ne3A_138 = arith.constant 0 : i32
      %ne3A_139 = arith.cmpi ne, %rem3A_137, %ne3A_138 : i32
      %lt3A_140 = arith.constant 0 : i32
      %lt3A_141 = arith.cmpi slt, %rem3A_137, %lt3A_140 : i32
      %lt3A_142 = arith.constant 0 : i32
      %lt3A_143 = arith.cmpi slt, %select_n3A_136, %lt3A_142 : i32
      %ne3A_144 = arith.xori %lt3A_141, %lt3A_143 : i1
      %and3A_145 = arith.andi %ne3A_144, %ne3A_139 : i1
      %add3A_146 = arith.addi %rem3A_137, %select_n3A_136 : i32
      %select_n3A_147 = arith.select %and3A_145, %add3A_146, %rem3A_137 : i32
      %sub3A_148 = arith.constant 5000 : i32
      %sub3A_149 = arith.subi %sub3A_148, %select_n3A_147 : i32
      %ge3A_150 = vector.broadcast %sub3A_149 : i32 to vector<16xi32>
      %ge3A_151 = arith.cmpi sge, %iota3A_105, %ge3A_150 : vector<16xi32>
      %jit3A_152 = arith.constant 307200 : i32
      %jit3A_153 = arith.constant 0 : i32
      %broadcast_in_dim3A_154 = vector.broadcast %jit3A_152 : i32 to vector<16xi32>
      %broadcast_in_dim3A_155 = vector.broadcast %jit3A_153 : i32 to vector<16xi32>
      %select_n3A_156 = arith.select %ge3A_151, %broadcast_in_dim3A_154, %broadcast_in_dim3A_155 : vector<16xi1>, vector<16xi32>
      %mul3A_157 = arith.constant 307200 : i32
      %mul3A_158 = arith.muli %select_n3A_131, %mul3A_157 : i32
      %add3A_159 = vector.broadcast %mul3A_158 : i32 to vector<16xi32>
      %add3A_160 = arith.addi %add3A_159, %select_n3A_156 : vector<16xi32>
      %min3A_161 = arith.constant 921600 : i32
      %min3A_162 = vector.broadcast %min3A_161 : i32 to vector<16xi32>
      %min3A_163 = arith.minsi %add3A_160, %min3A_162 : vector<16xi32>
      %get3A_164 = arith.constant 16 : index
      %get3A_165 = tpu.vector_load %arg12[%get3A_164] {strides = array<i32>} : memref<32xi32, #tpu.memory_space<vmem>>, vector<16xi32>,
      %add3A_166 = arith.addi %get3A_165, %min3A_163 : vector<16xi32>
      %and3A_167 = arith.constant 7 : i32
      %and3A_168 = vector.broadcast %and3A_167 : i32 to vector<16xi32>
      %and3A_169 = arith.andi %add3A_166, %and3A_168 : vector<16xi32>
      %shift_left3A_170 = arith.constant 4 : i32
      %shift_left3A_171 = vector.broadcast %shift_left3A_170 : i32 to vector<16xi32>
      %shift_left3A_172 = arith.shli %and3A_169, %shift_left3A_171 : vector<16xi32>
      %swap3A_173 = arith.constant 16 : index
      %swap3A_174 = tpu.vector_load %arg13[%swap3A_173] {strides = array<i32>} : memref<32xi32, #tpu.memory_space<vmem>>, vector<16xi32>,
      tpu.vector_store %arg13[%swap3A_173], %shift_left3A_172 {strides = array<i32>} : memref<32xi32, #tpu.memory_space<vmem>>, vector<16xi32>,
      %shift_right_arithmetic3A_175 = arith.constant 3 : i32
      %shift_right_arithmetic3A_176 = vector.broadcast %shift_right_arithmetic3A_175 : i32 to vector<16xi32>
      %shift_right_arithmetic3A_177 = arith.shrsi %add3A_166, %shift_right_arithmetic3A_176 : vector<16xi32>
      %swap3A_178 = arith.constant 16 : index
      %swap3A_179 = tpu.vector_load %arg12[%swap3A_178] {strides = array<i32>} : memref<32xi32, #tpu.memory_space<vmem>>, vector<16xi32>,
      tpu.vector_store %arg12[%swap3A_178], %shift_right_arithmetic3A_177 {strides = array<i32>} : memref<32xi32, #tpu.memory_space<vmem>>, vector<16xi32>,
      %dma_start3A = arith.constant 0 : i32
      %dma_start3A_180 = arith.constant 0 : i32
      %dma_start3A_181 = tpu.memref_slice %arg2[%dma_start3A, %dma_start3A_180] : memref<153600x128xf32, #tpu.memory_space<hbm>> -> memref<153600x128xf32, #tpu.memory_space<hbm>>
      tpu.enqueue_indirect_dma source(%dma_start3A_181 : memref<153600x128xf32, #tpu.memory_space<hbm>>) target(%arg14 : memref<320x128xf32, #tpu.memory_space<vmem>>) offsets(%arg8 : memref<320xi32, #tpu.memory_space<vmem>>) semaphore(%arg18 : memref<!tpu.dma_semaphore, #tpu.memory_space<semaphore_mem>>)
      %dma_start3A_182 = arith.constant 0 : i32
      %dma_start3A_183 = arith.constant 0 : i32
      %dma_start3A_184 = tpu.memref_slice %arg3[%dma_start3A_182, %dma_start3A_183] : memref<153600x128xf32, #tpu.memory_space<hbm>> -> memref<153600x128xf32, #tpu.memory_space<hbm>>
      tpu.enqueue_indirect_dma source(%dma_start3A_184 : memref<153600x128xf32, #tpu.memory_space<hbm>>) target(%arg15 : memref<320x128xf32, #tpu.memory_space<vmem>>) offsets(%arg10 : memref<320xi32, #tpu.memory_space<vmem>>) semaphore(%arg18 : memref<!tpu.dma_semaphore, #tpu.memory_space<semaphore_mem>>)
      %dma_start3A_185 = arith.constant 0 : i32
      %dma_start3A_186 = arith.constant 0 : i32
      %dma_start3A_187 = tpu.memref_slice %arg3[%dma_start3A_185, %dma_start3A_186] : memref<153600x128xf32, #tpu.memory_space<hbm>> -> memref<153600x128xf32, #tpu.memory_space<hbm>>
      tpu.enqueue_indirect_dma source(%dma_start3A_187 : memref<153600x128xf32, #tpu.memory_space<hbm>>) target(%arg16 : memref<32x128xf32, #tpu.memory_space<vmem>>) offsets(%arg12 : memref<32xi32, #tpu.memory_space<vmem>>) semaphore(%arg18 : memref<!tpu.dma_semaphore, #tpu.memory_space<semaphore_mem>>)
      %dma_wait3A = arith.constant 0 : i32
      %dma_wait3A_188 = arith.constant 0 : i32
      %dma_wait3A_189 = tpu.memref_slice %arg2[%dma_wait3A, %dma_wait3A_188] : memref<153600x128xf32, #tpu.memory_space<hbm>> -> memref<153600x128xf32, #tpu.memory_space<hbm>>
      tpu.wait_indirect_dma semaphore(%arg18 : memref<!tpu.dma_semaphore, #tpu.memory_space<semaphore_mem>>) src(%dma_wait3A_189 : memref<153600x128xf32, #tpu.memory_space<hbm>>) dst(%arg14 : memref<320x128xf32, #tpu.memory_space<vmem>>)
      %dma_wait3A_190 = arith.constant 0 : i32
      %dma_wait3A_191 = arith.constant 0 : i32
      %dma_wait3A_192 = tpu.memref_slice %arg3[%dma_wait3A_190, %dma_wait3A_191] : memref<153600x128xf32, #tpu.memory_space<hbm>> -> memref<153600x128xf32, #tpu.memory_space<hbm>>
      tpu.wait_indirect_dma semaphore(%arg18 : memref<!tpu.dma_semaphore, #tpu.memory_space<semaphore_mem>>) src(%dma_wait3A_192 : memref<153600x128xf32, #tpu.memory_space<hbm>>) dst(%arg15 : memref<320x128xf32, #tpu.memory_space<vmem>>)
      %dma_wait3A_193 = arith.constant 0 : i32
      %dma_wait3A_194 = arith.constant 0 : i32
      %dma_wait3A_195 = tpu.memref_slice %arg3[%dma_wait3A_193, %dma_wait3A_194] : memref<153600x128xf32, #tpu.memory_space<hbm>> -> memref<153600x128xf32, #tpu.memory_space<hbm>>
      tpu.wait_indirect_dma semaphore(%arg18 : memref<!tpu.dma_semaphore, #tpu.memory_space<semaphore_mem>>) src(%dma_wait3A_195 : memref<153600x128xf32, #tpu.memory_space<hbm>>) dst(%arg16 : memref<32x128xf32, #tpu.memory_space<vmem>>)
      %scan3A_196 = arith.constant 0 : i32
      %scan3A_197 = arith.constant 20 : i32
      %scan3A_198 = arith.addi %scan3A_196, %scan3A_197 : i32
      %scan3A_199 = arith.constant 1 : i32
      %scan3A_200 = scf.for %scan3A_202 = %scan3A_196 to %scan3A_198 step %scan3A_199 iter_args(%scan3A_203 = %scan3A_9) -> (vector<16xf32>)  : i32 {
        %iota3A_204 = tpu.iota {dimensions = array<i32: 0>} : vector<16xi32>
        %mul3A_205 = arith.constant 16 : i32
        %mul3A_206 = arith.muli %scan3A_202, %mul3A_205 : i32
        %add3A_207 = vector.broadcast %mul3A_206 : i32 to vector<16xi32>
        %add3A_208 = arith.addi %add3A_207, %iota3A_204 : vector<16xi32>
        %mul3A_209 = arith.constant 16 : i32
        %mul3A_210 = arith.muli %scan3A_202, %mul3A_209 : i32
        %jit3A_211 = arith.constant 10 : i32
        %div3A_212 = arith.divsi %mul3A_210, %jit3A_211 : i32
        %sign3A_213 = arith.constant 0 : i32
        %sign3A_214 = arith.cmpi sgt, %mul3A_210, %sign3A_213 : i32
        %sign3A_215 = arith.extui %sign3A_214 : i1 to i32
        %sign3A_216 = arith.constant 0 : i32
        %sign3A_217 = arith.cmpi slt, %mul3A_210, %sign3A_216 : i32
        %sign3A_218 = arith.extui %sign3A_217 : i1 to i32
        %sign3A_219 = arith.subi %sign3A_215, %sign3A_218 : i32
        %sign3A_220 = arith.constant 0 : i32
        %sign3A_221 = arith.cmpi sgt, %jit3A_211, %sign3A_220 : i32
        %sign3A_222 = arith.extui %sign3A_221 : i1 to i32
        %sign3A_223 = arith.constant 0 : i32
        %sign3A_224 = arith.cmpi slt, %jit3A_211, %sign3A_223 : i32
        %sign3A_225 = arith.extui %sign3A_224 : i1 to i32
        %sign3A_226 = arith.subi %sign3A_222, %sign3A_225 : i32
        %ne3A_227 = arith.cmpi ne, %sign3A_219, %sign3A_226 : i32
        %rem3A_228 = arith.remsi %mul3A_210, %jit3A_211 : i32
        %ne3A_229 = arith.constant 0 : i32
        %ne3A_230 = arith.cmpi ne, %rem3A_228, %ne3A_229 : i32
        %and3A_231 = arith.andi %ne3A_227, %ne3A_230 : i1
        %sub3A_232 = arith.constant 1 : i32
        %sub3A_233 = arith.subi %div3A_212, %sub3A_232 : i32
        %select_n3A_234 = arith.select %and3A_231, %sub3A_233, %div3A_212 : i32
        %jit3A_235 = arith.constant 10 : i32
        %eq3A_236 = arith.constant 0 : i32
        %eq3A_237 = arith.cmpi eq, %jit3A_235, %eq3A_236 : i32
        %jit3A_238 = arith.constant 1 : i32
        %select_n3A_239 = arith.select %eq3A_237, %jit3A_238, %jit3A_235 : i32
        %rem3A_240 = arith.remsi %mul3A_210, %select_n3A_239 : i32
        %ne3A_241 = arith.constant 0 : i32
        %ne3A_242 = arith.cmpi ne, %rem3A_240, %ne3A_241 : i32
        %lt3A_243 = arith.constant 0 : i32
        %lt3A_244 = arith.cmpi slt, %rem3A_240, %lt3A_243 : i32
        %lt3A_245 = arith.constant 0 : i32
        %lt3A_246 = arith.cmpi slt, %select_n3A_239, %lt3A_245 : i32
        %ne3A_247 = arith.xori %lt3A_244, %lt3A_246 : i1
        %and3A_248 = arith.andi %ne3A_247, %ne3A_242 : i1
        %add3A_249 = arith.addi %rem3A_240, %select_n3A_239 : i32
        %select_n3A_250 = arith.select %and3A_248, %add3A_249, %rem3A_240 : i32
        %add3A_251 = vector.broadcast %select_n3A_250 : i32 to vector<16xi32>
        %add3A_252 = arith.addi %add3A_251, %iota3A_204 : vector<16xi32>
        %ge3A_253 = arith.constant 10 : i32
        %ge3A_254 = vector.broadcast %ge3A_253 : i32 to vector<16xi32>
        %ge3A_255 = arith.cmpi sge, %add3A_252, %ge3A_254 : vector<16xi32>
        %jit3A_256 = arith.constant 1 : i32
        %jit3A_257 = arith.constant 0 : i32
        %broadcast_in_dim3A_258 = vector.broadcast %jit3A_256 : i32 to vector<16xi32>
        %broadcast_in_dim3A_259 = vector.broadcast %jit3A_257 : i32 to vector<16xi32>
        %select_n3A_260 = arith.select %ge3A_255, %broadcast_in_dim3A_258, %broadcast_in_dim3A_259 : vector<16xi1>, vector<16xi32>
        %add3A_261 = vector.broadcast %select_n3A_234 : i32 to vector<16xi32>
        %add3A_262 = arith.addi %add3A_261, %select_n3A_260 : vector<16xi32>
        %add3A_263 = vector.broadcast %select_n3A_250 : i32 to vector<16xi32>
        %add3A_264 = arith.addi %add3A_263, %iota3A_204 : vector<16xi32>
        %ge3A_265 = arith.constant 20 : i32
        %ge3A_266 = vector.broadcast %ge3A_265 : i32 to vector<16xi32>
        %ge3A_267 = arith.cmpi sge, %add3A_264, %ge3A_266 : vector<16xi32>
        %jit3A_268 = arith.constant 1 : i32
        %jit3A_269 = arith.constant 0 : i32
        %broadcast_in_dim3A_270 = vector.broadcast %jit3A_268 : i32 to vector<16xi32>
        %broadcast_in_dim3A_271 = vector.broadcast %jit3A_269 : i32 to vector<16xi32>
        %select_n3A_272 = arith.select %ge3A_267, %broadcast_in_dim3A_270, %broadcast_in_dim3A_271 : vector<16xi1>, vector<16xi32>
        %add3A_273 = arith.addi %add3A_262, %select_n3A_272 : vector<16xi32>
        %get3A_274 = arith.index_cast %mul3A_210 : i32 to index
        %get3A_275 = tpu.vector_load %arg9[%get3A_274] {strides = array<i32>} : memref<320xi32, #tpu.memory_space<vmem>>, vector<16xi32>,
        %get3A_276 = arith.index_cast %mul3A_210 : i32 to index
        %get3A_277 = tpu.vector_load %arg11[%get3A_276] {strides = array<i32>} : memref<320xi32, #tpu.memory_space<vmem>>, vector<16xi32>,
        %gather3A = tpu.vector_load_idx %arg13[%add3A_273] : memref<32xi32, #tpu.memory_space<vmem>>[vector<16xi32>], vector<16xi32>,
        %broadcast_in_dim3A_278 = arith.constant 0.000000e+00 : f32
        %broadcast_in_dim3A_279 = vector.broadcast %broadcast_in_dim3A_278 : f32 to vector<16xf32>
        %add3A_280 = arith.constant 0 : i32
        %add3A_281 = vector.broadcast %add3A_280 : i32 to vector<16xi32>
        %add3A_282 = arith.addi %iota3A_204, %add3A_281 : vector<16xi32>
        %and3A_283 = arith.constant 15 : i32
        %and3A_284 = vector.broadcast %and3A_283 : i32 to vector<16xi32>
        %and3A_285 = arith.andi %add3A_282, %and3A_284 : vector<16xi32>
        %add3A_286 = arith.addi %get3A_275, %and3A_285 : vector<16xi32>
        %gather3A_287 = tpu.vector_load_idx %arg14[%add3A_208, %add3A_286] : memref<320x128xf32, #tpu.memory_space<vmem>>[vector<16xi32>, vector<16xi32>], vector<16xf32>,
        %add3A_288 = arith.addi %get3A_277, %and3A_285 : vector<16xi32>
        %gather3A_289 = tpu.vector_load_idx %arg15[%add3A_208, %add3A_288] : memref<320x128xf32, #tpu.memory_space<vmem>>[vector<16xi32>, vector<16xi32>], vector<16xf32>,
        %add3A_290 = arith.addi %gather3A, %and3A_285 : vector<16xi32>
        %gather3A_291 = tpu.vector_load_idx %arg16[%add3A_273, %add3A_290] : memref<32x128xf32, #tpu.memory_space<vmem>>[vector<16xi32>, vector<16xi32>], vector<16xf32>,
        %sub3A_292 = arith.subf %gather3A_289, %gather3A_291 : vector<16xf32>
        %add3A_293 = arith.addf %gather3A_287, %gather3A_287 : vector<16xf32>
        %sub3A_294 = arith.subf %add3A_293, %gather3A_291 : vector<16xf32>
        %sub3A_295 = arith.subf %sub3A_294, %gather3A_289 : vector<16xf32>
        %mul3A_296 = arith.mulf %sub3A_292, %sub3A_295 : vector<16xf32>
        %add3A_297 = arith.addf %broadcast_in_dim3A_279, %mul3A_296 : vector<16xf32>
        %add3A_298 = arith.constant 1 : i32
        %add3A_299 = vector.broadcast %add3A_298 : i32 to vector<16xi32>
        %add3A_300 = arith.addi %iota3A_204, %add3A_299 : vector<16xi32>
        %and3A_301 = arith.constant 15 : i32
        %and3A_302 = vector.broadcast %and3A_301 : i32 to vector<16xi32>
        %and3A_303 = arith.andi %add3A_300, %and3A_302 : vector<16xi32>
        %add3A_304 = arith.addi %get3A_275, %and3A_303 : vector<16xi32>
        %gather3A_305 = tpu.vector_load_idx %arg14[%add3A_208, %add3A_304] : memref<320x128xf32, #tpu.memory_space<vmem>>[vector<16xi32>, vector<16xi32>], vector<16xf32>,
        %add3A_306 = arith.addi %get3A_277, %and3A_303 : vector<16xi32>
        %gather3A_307 = tpu.vector_load_idx %arg15[%add3A_208, %add3A_306] : memref<320x128xf32, #tpu.memory_space<vmem>>[vector<16xi32>, vector<16xi32>], vector<16xf32>,
        %add3A_308 = arith.addi %gather3A, %and3A_303 : vector<16xi32>
        %gather3A_309 = tpu.vector_load_idx %arg16[%add3A_273, %add3A_308] : memref<32x128xf32, #tpu.memory_space<vmem>>[vector<16xi32>, vector<16xi32>], vector<16xf32>,
        %sub3A_310 = arith.subf %gather3A_307, %gather3A_309 : vector<16xf32>
        %add3A_311 = arith.addf %gather3A_305, %gather3A_305 : vector<16xf32>
        %sub3A_312 = arith.subf %add3A_311, %gather3A_309 : vector<16xf32>
        %sub3A_313 = arith.subf %sub3A_312, %gather3A_307 : vector<16xf32>
        %mul3A_314 = arith.mulf %sub3A_310, %sub3A_313 : vector<16xf32>
        %add3A_315 = arith.addf %add3A_297, %mul3A_314 : vector<16xf32>
        %add3A_316 = arith.constant 2 : i32
        %add3A_317 = vector.broadcast %add3A_316 : i32 to vector<16xi32>
        %add3A_318 = arith.addi %iota3A_204, %add3A_317 : vector<16xi32>
        %and3A_319 = arith.constant 15 : i32
        %and3A_320 = vector.broadcast %and3A_319 : i32 to vector<16xi32>
        %and3A_321 = arith.andi %add3A_318, %and3A_320 : vector<16xi32>
        %add3A_322 = arith.addi %get3A_275, %and3A_321 : vector<16xi32>
        %gather3A_323 = tpu.vector_load_idx %arg14[%add3A_208, %add3A_322] : memref<320x128xf32, #tpu.memory_space<vmem>>[vector<16xi32>, vector<16xi32>], vector<16xf32>,
        %add3A_324 = arith.addi %get3A_277, %and3A_321 : vector<16xi32>
        %gather3A_325 = tpu.vector_load_idx %arg15[%add3A_208, %add3A_324] : memref<320x128xf32, #tpu.memory_space<vmem>>[vector<16xi32>, vector<16xi32>], vector<16xf32>,
        %add3A_326 = arith.addi %gather3A, %and3A_321 : vector<16xi32>
        %gather3A_327 = tpu.vector_load_idx %arg16[%add3A_273, %add3A_326] : memref<32x128xf32, #tpu.memory_space<vmem>>[vector<16xi32>, vector<16xi32>], vector<16xf32>,
        %sub3A_328 = arith.subf %gather3A_325, %gather3A_327 : vector<16xf32>
        %add3A_329 = arith.addf %gather3A_323, %gather3A_323 : vector<16xf32>
        %sub3A_330 = arith.subf %add3A_329, %gather3A_327 : vector<16xf32>
        %sub3A_331 = arith.subf %sub3A_330, %gather3A_325 : vector<16xf32>
        %mul3A_332 = arith.mulf %sub3A_328, %sub3A_331 : vector<16xf32>
        %add3A_333 = arith.addf %add3A_315, %mul3A_332 : vector<16xf32>
        %add3A_334 = arith.constant 3 : i32
        %add3A_335 = vector.broadcast %add3A_334 : i32 to vector<16xi32>
        %add3A_336 = arith.addi %iota3A_204, %add3A_335 : vector<16xi32>
        %and3A_337 = arith.constant 15 : i32
        %and3A_338 = vector.broadcast %and3A_337 : i32 to vector<16xi32>
        %and3A_339 = arith.andi %add3A_336, %and3A_338 : vector<16xi32>
        %add3A_340 = arith.addi %get3A_275, %and3A_339 : vector<16xi32>
        %gather3A_341 = tpu.vector_load_idx %arg14[%add3A_208, %add3A_340] : memref<320x128xf32, #tpu.memory_space<vmem>>[vector<16xi32>, vector<16xi32>], vector<16xf32>,
        %add3A_342 = arith.addi %get3A_277, %and3A_339 : vector<16xi32>
        %gather3A_343 = tpu.vector_load_idx %arg15[%add3A_208, %add3A_342] : memref<320x128xf32, #tpu.memory_space<vmem>>[vector<16xi32>, vector<16xi32>], vector<16xf32>,
        %add3A_344 = arith.addi %gather3A, %and3A_339 : vector<16xi32>
        %gather3A_345 = tpu.vector_load_idx %arg16[%add3A_273, %add3A_344] : memref<32x128xf32, #tpu.memory_space<vmem>>[vector<16xi32>, vector<16xi32>], vector<16xf32>,
        %sub3A_346 = arith.subf %gather3A_343, %gather3A_345 : vector<16xf32>
        %add3A_347 = arith.addf %gather3A_341, %gather3A_341 : vector<16xf32>
        %sub3A_348 = arith.subf %add3A_347, %gather3A_345 : vector<16xf32>
        %sub3A_349 = arith.subf %sub3A_348, %gather3A_343 : vector<16xf32>
        %mul3A_350 = arith.mulf %sub3A_346, %sub3A_349 : vector<16xf32>
        %add3A_351 = arith.addf %add3A_333, %mul3A_350 : vector<16xf32>
        %add3A_352 = arith.constant 4 : i32
        %add3A_353 = vector.broadcast %add3A_352 : i32 to vector<16xi32>
        %add3A_354 = arith.addi %iota3A_204, %add3A_353 : vector<16xi32>
        %and3A_355 = arith.constant 15 : i32
        %and3A_356 = vector.broadcast %and3A_355 : i32 to vector<16xi32>
        %and3A_357 = arith.andi %add3A_354, %and3A_356 : vector<16xi32>
        %add3A_358 = arith.addi %get3A_275, %and3A_357 : vector<16xi32>
        %gather3A_359 = tpu.vector_load_idx %arg14[%add3A_208, %add3A_358] : memref<320x128xf32, #tpu.memory_space<vmem>>[vector<16xi32>, vector<16xi32>], vector<16xf32>,
        %add3A_360 = arith.addi %get3A_277, %and3A_357 : vector<16xi32>
        %gather3A_361 = tpu.vector_load_idx %arg15[%add3A_208, %add3A_360] : memref<320x128xf32, #tpu.memory_space<vmem>>[vector<16xi32>, vector<16xi32>], vector<16xf32>,
        %add3A_362 = arith.addi %gather3A, %and3A_357 : vector<16xi32>
        %gather3A_363 = tpu.vector_load_idx %arg16[%add3A_273, %add3A_362] : memref<32x128xf32, #tpu.memory_space<vmem>>[vector<16xi32>, vector<16xi32>], vector<16xf32>,
        %sub3A_364 = arith.subf %gather3A_361, %gather3A_363 : vector<16xf32>
        %add3A_365 = arith.addf %gather3A_359, %gather3A_359 : vector<16xf32>
        %sub3A_366 = arith.subf %add3A_365, %gather3A_363 : vector<16xf32>
        %sub3A_367 = arith.subf %sub3A_366, %gather3A_361 : vector<16xf32>
        %mul3A_368 = arith.mulf %sub3A_364, %sub3A_367 : vector<16xf32>
        %add3A_369 = arith.addf %add3A_351, %mul3A_368 : vector<16xf32>
        %add3A_370 = arith.constant 5 : i32
        %add3A_371 = vector.broadcast %add3A_370 : i32 to vector<16xi32>
        %add3A_372 = arith.addi %iota3A_204, %add3A_371 : vector<16xi32>
        %and3A_373 = arith.constant 15 : i32
        %and3A_374 = vector.broadcast %and3A_373 : i32 to vector<16xi32>
        %and3A_375 = arith.andi %add3A_372, %and3A_374 : vector<16xi32>
        %add3A_376 = arith.addi %get3A_275, %and3A_375 : vector<16xi32>
        %gather3A_377 = tpu.vector_load_idx %arg14[%add3A_208, %add3A_376] : memref<320x128xf32, #tpu.memory_space<vmem>>[vector<16xi32>, vector<16xi32>], vector<16xf32>,
        %add3A_378 = arith.addi %get3A_277, %and3A_375 : vector<16xi32>
        %gather3A_379 = tpu.vector_load_idx %arg15[%add3A_208, %add3A_378] : memref<320x128xf32, #tpu.memory_space<vmem>>[vector<16xi32>, vector<16xi32>], vector<16xf32>,
        %add3A_380 = arith.addi %gather3A, %and3A_375 : vector<16xi32>
        %gather3A_381 = tpu.vector_load_idx %arg16[%add3A_273, %add3A_380] : memref<32x128xf32, #tpu.memory_space<vmem>>[vector<16xi32>, vector<16xi32>], vector<16xf32>,
        %sub3A_382 = arith.subf %gather3A_379, %gather3A_381 : vector<16xf32>
        %add3A_383 = arith.addf %gather3A_377, %gather3A_377 : vector<16xf32>
        %sub3A_384 = arith.subf %add3A_383, %gather3A_381 : vector<16xf32>
        %sub3A_385 = arith.subf %sub3A_384, %gather3A_379 : vector<16xf32>
        %mul3A_386 = arith.mulf %sub3A_382, %sub3A_385 : vector<16xf32>
        %add3A_387 = arith.addf %add3A_369, %mul3A_386 : vector<16xf32>
        %add3A_388 = arith.constant 6 : i32
        %add3A_389 = vector.broadcast %add3A_388 : i32 to vector<16xi32>
        %add3A_390 = arith.addi %iota3A_204, %add3A_389 : vector<16xi32>
        %and3A_391 = arith.constant 15 : i32
        %and3A_392 = vector.broadcast %and3A_391 : i32 to vector<16xi32>
        %and3A_393 = arith.andi %add3A_390, %and3A_392 : vector<16xi32>
        %add3A_394 = arith.addi %get3A_275, %and3A_393 : vector<16xi32>
        %gather3A_395 = tpu.vector_load_idx %arg14[%add3A_208, %add3A_394] : memref<320x128xf32, #tpu.memory_space<vmem>>[vector<16xi32>, vector<16xi32>], vector<16xf32>,
        %add3A_396 = arith.addi %get3A_277, %and3A_393 : vector<16xi32>
        %gather3A_397 = tpu.vector_load_idx %arg15[%add3A_208, %add3A_396] : memref<320x128xf32, #tpu.memory_space<vmem>>[vector<16xi32>, vector<16xi32>], vector<16xf32>,
        %add3A_398 = arith.addi %gather3A, %and3A_393 : vector<16xi32>
        %gather3A_399 = tpu.vector_load_idx %arg16[%add3A_273, %add3A_398] : memref<32x128xf32, #tpu.memory_space<vmem>>[vector<16xi32>, vector<16xi32>], vector<16xf32>,
        %sub3A_400 = arith.subf %gather3A_397, %gather3A_399 : vector<16xf32>
        %add3A_401 = arith.addf %gather3A_395, %gather3A_395 : vector<16xf32>
        %sub3A_402 = arith.subf %add3A_401, %gather3A_399 : vector<16xf32>
        %sub3A_403 = arith.subf %sub3A_402, %gather3A_397 : vector<16xf32>
        %mul3A_404 = arith.mulf %sub3A_400, %sub3A_403 : vector<16xf32>
        %add3A_405 = arith.addf %add3A_387, %mul3A_404 : vector<16xf32>
        %add3A_406 = arith.constant 7 : i32
        %add3A_407 = vector.broadcast %add3A_406 : i32 to vector<16xi32>
        %add3A_408 = arith.addi %iota3A_204, %add3A_407 : vector<16xi32>
        %and3A_409 = arith.constant 15 : i32
        %and3A_410 = vector.broadcast %and3A_409 : i32 to vector<16xi32>
        %and3A_411 = arith.andi %add3A_408, %and3A_410 : vector<16xi32>
        %add3A_412 = arith.addi %get3A_275, %and3A_411 : vector<16xi32>
        %gather3A_413 = tpu.vector_load_idx %arg14[%add3A_208, %add3A_412] : memref<320x128xf32, #tpu.memory_space<vmem>>[vector<16xi32>, vector<16xi32>], vector<16xf32>,
        %add3A_414 = arith.addi %get3A_277, %and3A_411 : vector<16xi32>
        %gather3A_415 = tpu.vector_load_idx %arg15[%add3A_208, %add3A_414] : memref<320x128xf32, #tpu.memory_space<vmem>>[vector<16xi32>, vector<16xi32>], vector<16xf32>,
        %add3A_416 = arith.addi %gather3A, %and3A_411 : vector<16xi32>
        %gather3A_417 = tpu.vector_load_idx %arg16[%add3A_273, %add3A_416] : memref<32x128xf32, #tpu.memory_space<vmem>>[vector<16xi32>, vector<16xi32>], vector<16xf32>,
        %sub3A_418 = arith.subf %gather3A_415, %gather3A_417 : vector<16xf32>
        %add3A_419 = arith.addf %gather3A_413, %gather3A_413 : vector<16xf32>
        %sub3A_420 = arith.subf %add3A_419, %gather3A_417 : vector<16xf32>
        %sub3A_421 = arith.subf %sub3A_420, %gather3A_415 : vector<16xf32>
        %mul3A_422 = arith.mulf %sub3A_418, %sub3A_421 : vector<16xf32>
        %add3A_423 = arith.addf %add3A_405, %mul3A_422 : vector<16xf32>
        %add3A_424 = arith.constant 8 : i32
        %add3A_425 = vector.broadcast %add3A_424 : i32 to vector<16xi32>
        %add3A_426 = arith.addi %iota3A_204, %add3A_425 : vector<16xi32>
        %and3A_427 = arith.constant 15 : i32
        %and3A_428 = vector.broadcast %and3A_427 : i32 to vector<16xi32>
        %and3A_429 = arith.andi %add3A_426, %and3A_428 : vector<16xi32>
        %add3A_430 = arith.addi %get3A_275, %and3A_429 : vector<16xi32>
        %gather3A_431 = tpu.vector_load_idx %arg14[%add3A_208, %add3A_430] : memref<320x128xf32, #tpu.memory_space<vmem>>[vector<16xi32>, vector<16xi32>], vector<16xf32>,
        %add3A_432 = arith.addi %get3A_277, %and3A_429 : vector<16xi32>
        %gather3A_433 = tpu.vector_load_idx %arg15[%add3A_208, %add3A_432] : memref<320x128xf32, #tpu.memory_space<vmem>>[vector<16xi32>, vector<16xi32>], vector<16xf32>,
        %add3A_434 = arith.addi %gather3A, %and3A_429 : vector<16xi32>
        %gather3A_435 = tpu.vector_load_idx %arg16[%add3A_273, %add3A_434] : memref<32x128xf32, #tpu.memory_space<vmem>>[vector<16xi32>, vector<16xi32>], vector<16xf32>,
        %sub3A_436 = arith.subf %gather3A_433, %gather3A_435 : vector<16xf32>
        %add3A_437 = arith.addf %gather3A_431, %gather3A_431 : vector<16xf32>
        %sub3A_438 = arith.subf %add3A_437, %gather3A_435 : vector<16xf32>
        %sub3A_439 = arith.subf %sub3A_438, %gather3A_433 : vector<16xf32>
        %mul3A_440 = arith.mulf %sub3A_436, %sub3A_439 : vector<16xf32>
        %add3A_441 = arith.addf %add3A_423, %mul3A_440 : vector<16xf32>
        %add3A_442 = arith.constant 9 : i32
        %add3A_443 = vector.broadcast %add3A_442 : i32 to vector<16xi32>
        %add3A_444 = arith.addi %iota3A_204, %add3A_443 : vector<16xi32>
        %and3A_445 = arith.constant 15 : i32
        %and3A_446 = vector.broadcast %and3A_445 : i32 to vector<16xi32>
        %and3A_447 = arith.andi %add3A_444, %and3A_446 : vector<16xi32>
        %add3A_448 = arith.addi %get3A_275, %and3A_447 : vector<16xi32>
        %gather3A_449 = tpu.vector_load_idx %arg14[%add3A_208, %add3A_448] : memref<320x128xf32, #tpu.memory_space<vmem>>[vector<16xi32>, vector<16xi32>], vector<16xf32>,
        %add3A_450 = arith.addi %get3A_277, %and3A_447 : vector<16xi32>
        %gather3A_451 = tpu.vector_load_idx %arg15[%add3A_208, %add3A_450] : memref<320x128xf32, #tpu.memory_space<vmem>>[vector<16xi32>, vector<16xi32>], vector<16xf32>,
        %add3A_452 = arith.addi %gather3A, %and3A_447 : vector<16xi32>
        %gather3A_453 = tpu.vector_load_idx %arg16[%add3A_273, %add3A_452] : memref<32x128xf32, #tpu.memory_space<vmem>>[vector<16xi32>, vector<16xi32>], vector<16xf32>,
        %sub3A_454 = arith.subf %gather3A_451, %gather3A_453 : vector<16xf32>
        %add3A_455 = arith.addf %gather3A_449, %gather3A_449 : vector<16xf32>
        %sub3A_456 = arith.subf %add3A_455, %gather3A_453 : vector<16xf32>
        %sub3A_457 = arith.subf %sub3A_456, %gather3A_451 : vector<16xf32>
        %mul3A_458 = arith.mulf %sub3A_454, %sub3A_457 : vector<16xf32>
        %add3A_459 = arith.addf %add3A_441, %mul3A_458 : vector<16xf32>
        %add3A_460 = arith.constant 10 : i32
        %add3A_461 = vector.broadcast %add3A_460 : i32 to vector<16xi32>
        %add3A_462 = arith.addi %iota3A_204, %add3A_461 : vector<16xi32>
        %and3A_463 = arith.constant 15 : i32
        %and3A_464 = vector.broadcast %and3A_463 : i32 to vector<16xi32>
        %and3A_465 = arith.andi %add3A_462, %and3A_464 : vector<16xi32>
        %add3A_466 = arith.addi %get3A_275, %and3A_465 : vector<16xi32>
        %gather3A_467 = tpu.vector_load_idx %arg14[%add3A_208, %add3A_466] : memref<320x128xf32, #tpu.memory_space<vmem>>[vector<16xi32>, vector<16xi32>], vector<16xf32>,
        %add3A_468 = arith.addi %get3A_277, %and3A_465 : vector<16xi32>
        %gather3A_469 = tpu.vector_load_idx %arg15[%add3A_208, %add3A_468] : memref<320x128xf32, #tpu.memory_space<vmem>>[vector<16xi32>, vector<16xi32>], vector<16xf32>,
        %add3A_470 = arith.addi %gather3A, %and3A_465 : vector<16xi32>
        %gather3A_471 = tpu.vector_load_idx %arg16[%add3A_273, %add3A_470] : memref<32x128xf32, #tpu.memory_space<vmem>>[vector<16xi32>, vector<16xi32>], vector<16xf32>,
        %sub3A_472 = arith.subf %gather3A_469, %gather3A_471 : vector<16xf32>
        %add3A_473 = arith.addf %gather3A_467, %gather3A_467 : vector<16xf32>
        %sub3A_474 = arith.subf %add3A_473, %gather3A_471 : vector<16xf32>
        %sub3A_475 = arith.subf %sub3A_474, %gather3A_469 : vector<16xf32>
        %mul3A_476 = arith.mulf %sub3A_472, %sub3A_475 : vector<16xf32>
        %add3A_477 = arith.addf %add3A_459, %mul3A_476 : vector<16xf32>
        %add3A_478 = arith.constant 11 : i32
        %add3A_479 = vector.broadcast %add3A_478 : i32 to vector<16xi32>
        %add3A_480 = arith.addi %iota3A_204, %add3A_479 : vector<16xi32>
        %and3A_481 = arith.constant 15 : i32
        %and3A_482 = vector.broadcast %and3A_481 : i32 to vector<16xi32>
        %and3A_483 = arith.andi %add3A_480, %and3A_482 : vector<16xi32>
        %add3A_484 = arith.addi %get3A_275, %and3A_483 : vector<16xi32>
        %gather3A_485 = tpu.vector_load_idx %arg14[%add3A_208, %add3A_484] : memref<320x128xf32, #tpu.memory_space<vmem>>[vector<16xi32>, vector<16xi32>], vector<16xf32>,
        %add3A_486 = arith.addi %get3A_277, %and3A_483 : vector<16xi32>
        %gather3A_487 = tpu.vector_load_idx %arg15[%add3A_208, %add3A_486] : memref<320x128xf32, #tpu.memory_space<vmem>>[vector<16xi32>, vector<16xi32>], vector<16xf32>,
        %add3A_488 = arith.addi %gather3A, %and3A_483 : vector<16xi32>
        %gather3A_489 = tpu.vector_load_idx %arg16[%add3A_273, %add3A_488] : memref<32x128xf32, #tpu.memory_space<vmem>>[vector<16xi32>, vector<16xi32>], vector<16xf32>,
        %sub3A_490 = arith.subf %gather3A_487, %gather3A_489 : vector<16xf32>
        %add3A_491 = arith.addf %gather3A_485, %gather3A_485 : vector<16xf32>
        %sub3A_492 = arith.subf %add3A_491, %gather3A_489 : vector<16xf32>
        %sub3A_493 = arith.subf %sub3A_492, %gather3A_487 : vector<16xf32>
        %mul3A_494 = arith.mulf %sub3A_490, %sub3A_493 : vector<16xf32>
        %add3A_495 = arith.addf %add3A_477, %mul3A_494 : vector<16xf32>
        %add3A_496 = arith.constant 12 : i32
        %add3A_497 = vector.broadcast %add3A_496 : i32 to vector<16xi32>
        %add3A_498 = arith.addi %iota3A_204, %add3A_497 : vector<16xi32>
        %and3A_499 = arith.constant 15 : i32
        %and3A_500 = vector.broadcast %and3A_499 : i32 to vector<16xi32>
        %and3A_501 = arith.andi %add3A_498, %and3A_500 : vector<16xi32>
        %add3A_502 = arith.addi %get3A_275, %and3A_501 : vector<16xi32>
        %gather3A_503 = tpu.vector_load_idx %arg14[%add3A_208, %add3A_502] : memref<320x128xf32, #tpu.memory_space<vmem>>[vector<16xi32>, vector<16xi32>], vector<16xf32>,
        %add3A_504 = arith.addi %get3A_277, %and3A_501 : vector<16xi32>
        %gather3A_505 = tpu.vector_load_idx %arg15[%add3A_208, %add3A_504] : memref<320x128xf32, #tpu.memory_space<vmem>>[vector<16xi32>, vector<16xi32>], vector<16xf32>,
        %add3A_506 = arith.addi %gather3A, %and3A_501 : vector<16xi32>
        %gather3A_507 = tpu.vector_load_idx %arg16[%add3A_273, %add3A_506] : memref<32x128xf32, #tpu.memory_space<vmem>>[vector<16xi32>, vector<16xi32>], vector<16xf32>,
        %sub3A_508 = arith.subf %gather3A_505, %gather3A_507 : vector<16xf32>
        %add3A_509 = arith.addf %gather3A_503, %gather3A_503 : vector<16xf32>
        %sub3A_510 = arith.subf %add3A_509, %gather3A_507 : vector<16xf32>
        %sub3A_511 = arith.subf %sub3A_510, %gather3A_505 : vector<16xf32>
        %mul3A_512 = arith.mulf %sub3A_508, %sub3A_511 : vector<16xf32>
        %add3A_513 = arith.addf %add3A_495, %mul3A_512 : vector<16xf32>
        %add3A_514 = arith.constant 13 : i32
        %add3A_515 = vector.broadcast %add3A_514 : i32 to vector<16xi32>
        %add3A_516 = arith.addi %iota3A_204, %add3A_515 : vector<16xi32>
        %and3A_517 = arith.constant 15 : i32
        %and3A_518 = vector.broadcast %and3A_517 : i32 to vector<16xi32>
        %and3A_519 = arith.andi %add3A_516, %and3A_518 : vector<16xi32>
        %add3A_520 = arith.addi %get3A_275, %and3A_519 : vector<16xi32>
        %gather3A_521 = tpu.vector_load_idx %arg14[%add3A_208, %add3A_520] : memref<320x128xf32, #tpu.memory_space<vmem>>[vector<16xi32>, vector<16xi32>], vector<16xf32>,
        %add3A_522 = arith.addi %get3A_277, %and3A_519 : vector<16xi32>
        %gather3A_523 = tpu.vector_load_idx %arg15[%add3A_208, %add3A_522] : memref<320x128xf32, #tpu.memory_space<vmem>>[vector<16xi32>, vector<16xi32>], vector<16xf32>,
        %add3A_524 = arith.addi %gather3A, %and3A_519 : vector<16xi32>
        %gather3A_525 = tpu.vector_load_idx %arg16[%add3A_273, %add3A_524] : memref<32x128xf32, #tpu.memory_space<vmem>>[vector<16xi32>, vector<16xi32>], vector<16xf32>,
        %sub3A_526 = arith.subf %gather3A_523, %gather3A_525 : vector<16xf32>
        %add3A_527 = arith.addf %gather3A_521, %gather3A_521 : vector<16xf32>
        %sub3A_528 = arith.subf %add3A_527, %gather3A_525 : vector<16xf32>
        %sub3A_529 = arith.subf %sub3A_528, %gather3A_523 : vector<16xf32>
        %mul3A_530 = arith.mulf %sub3A_526, %sub3A_529 : vector<16xf32>
        %add3A_531 = arith.addf %add3A_513, %mul3A_530 : vector<16xf32>
        %add3A_532 = arith.constant 14 : i32
        %add3A_533 = vector.broadcast %add3A_532 : i32 to vector<16xi32>
        %add3A_534 = arith.addi %iota3A_204, %add3A_533 : vector<16xi32>
        %and3A_535 = arith.constant 15 : i32
        %and3A_536 = vector.broadcast %and3A_535 : i32 to vector<16xi32>
        %and3A_537 = arith.andi %add3A_534, %and3A_536 : vector<16xi32>
        %add3A_538 = arith.addi %get3A_275, %and3A_537 : vector<16xi32>
        %gather3A_539 = tpu.vector_load_idx %arg14[%add3A_208, %add3A_538] : memref<320x128xf32, #tpu.memory_space<vmem>>[vector<16xi32>, vector<16xi32>], vector<16xf32>,
        %add3A_540 = arith.addi %get3A_277, %and3A_537 : vector<16xi32>
        %gather3A_541 = tpu.vector_load_idx %arg15[%add3A_208, %add3A_540] : memref<320x128xf32, #tpu.memory_space<vmem>>[vector<16xi32>, vector<16xi32>], vector<16xf32>,
        %add3A_542 = arith.addi %gather3A, %and3A_537 : vector<16xi32>
        %gather3A_543 = tpu.vector_load_idx %arg16[%add3A_273, %add3A_542] : memref<32x128xf32, #tpu.memory_space<vmem>>[vector<16xi32>, vector<16xi32>], vector<16xf32>,
        %sub3A_544 = arith.subf %gather3A_541, %gather3A_543 : vector<16xf32>
        %add3A_545 = arith.addf %gather3A_539, %gather3A_539 : vector<16xf32>
        %sub3A_546 = arith.subf %add3A_545, %gather3A_543 : vector<16xf32>
        %sub3A_547 = arith.subf %sub3A_546, %gather3A_541 : vector<16xf32>
        %mul3A_548 = arith.mulf %sub3A_544, %sub3A_547 : vector<16xf32>
        %add3A_549 = arith.addf %add3A_531, %mul3A_548 : vector<16xf32>
        %add3A_550 = arith.constant 15 : i32
        %add3A_551 = vector.broadcast %add3A_550 : i32 to vector<16xi32>
        %add3A_552 = arith.addi %iota3A_204, %add3A_551 : vector<16xi32>
        %and3A_553 = arith.constant 15 : i32
        %and3A_554 = vector.broadcast %and3A_553 : i32 to vector<16xi32>
        %and3A_555 = arith.andi %add3A_552, %and3A_554 : vector<16xi32>
        %add3A_556 = arith.addi %get3A_275, %and3A_555 : vector<16xi32>
        %gather3A_557 = tpu.vector_load_idx %arg14[%add3A_208, %add3A_556] : memref<320x128xf32, #tpu.memory_space<vmem>>[vector<16xi32>, vector<16xi32>], vector<16xf32>,
        %add3A_558 = arith.addi %get3A_277, %and3A_555 : vector<16xi32>
        %gather3A_559 = tpu.vector_load_idx %arg15[%add3A_208, %add3A_558] : memref<320x128xf32, #tpu.memory_space<vmem>>[vector<16xi32>, vector<16xi32>], vector<16xf32>,
        %add3A_560 = arith.addi %gather3A, %and3A_555 : vector<16xi32>
        %gather3A_561 = tpu.vector_load_idx %arg16[%add3A_273, %add3A_560] : memref<32x128xf32, #tpu.memory_space<vmem>>[vector<16xi32>, vector<16xi32>], vector<16xf32>,
        %sub3A_562 = arith.subf %gather3A_559, %gather3A_561 : vector<16xf32>
        %add3A_563 = arith.addf %gather3A_557, %gather3A_557 : vector<16xf32>
        %sub3A_564 = arith.subf %add3A_563, %gather3A_561 : vector<16xf32>
        %sub3A_565 = arith.subf %sub3A_564, %gather3A_559 : vector<16xf32>
        %mul3A_566 = arith.mulf %sub3A_562, %sub3A_565 : vector<16xf32>
        %add3A_567 = arith.addf %add3A_549, %mul3A_566 : vector<16xf32>
        %add3A_568 = arith.constant 5.000000e-01 : f32
        %add3A_569 = vector.broadcast %add3A_568 : f32 to vector<16xf32>
        %add3A_570 = arith.addf %add3A_567, %add3A_569 : vector<16xf32>
        %max3A = arith.constant 0.000000e+00 : f32
        %max3A_571 = vector.broadcast %max3A : f32 to vector<16xf32>
        %max3A_572 = arith.maximumf %add3A_570, %max3A_571 : vector<16xf32>
        %add3A_573 = arith.addf %scan3A_203, %max3A_572 : vector<16xf32>
        scf.yield %add3A_573 : vector<16xf32>
      }
      %scan3A_201 = arith.constant 20 : i32
      scf.yield %scan3A_200 : vector<16xf32>
    }
    %scan3A_6 = arith.constant 20 : i32
    %swap3A = arith.constant 0 : index
    %swap3A_7 = tpu.vector_load %arg17[%swap3A] {strides = array<i32>} : memref<16xf32, #tpu.memory_space<vmem>>, vector<16xf32>,
    tpu.vector_store %arg17[%swap3A], %scan3A_5 {strides = array<i32>} : memref<16xf32, #tpu.memory_space<vmem>>, vector<16xf32>,
    "tpu.region"() ({
      %run_scoped3A = tpu.sem_alloc : memref<!tpu.dma_semaphore, #tpu.memory_space<semaphore_mem>>
      %dma_start3A = arith.constant 0 : i32
      %dma_start3A_8 = tpu.memref_slice %arg7[%add3A, %dma_start3A] : memref<32x16xf32, #tpu.memory_space<hbm>> -> memref<1x16xf32, #tpu.memory_space<hbm>>
      %dma_start3A_9 = tpu.memref_squeeze %dma_start3A_8 : memref<1x16xf32, #tpu.memory_space<hbm>> -> memref<16xf32, #tpu.memory_space<hbm>>
      %dma_start3A_10 = arith.constant 0 : i32
      %dma_start3A_11 = tpu.memref_slice %arg7[%add3A, %dma_start3A_10] : memref<32x16xf32, #tpu.memory_space<hbm>> -> memref<1x16xf32, #tpu.memory_space<hbm>>
      %dma_start3A_12 = tpu.memref_squeeze %dma_start3A_11 : memref<1x16xf32, #tpu.memory_space<hbm>> -> memref<16xf32, #tpu.memory_space<hbm>>
      tpu.enqueue_dma source(%arg17 : memref<16xf32, #tpu.memory_space<vmem>>) target(%dma_start3A_12 : memref<16xf32, #tpu.memory_space<hbm>>) target_semaphore(%run_scoped3A : memref<!tpu.dma_semaphore, #tpu.memory_space<semaphore_mem>>)
      %dma_wait3A = arith.constant 0 : i32
      %dma_wait3A_13 = tpu.memref_slice %arg7[%add3A, %dma_wait3A] : memref<32x16xf32, #tpu.memory_space<hbm>> -> memref<1x16xf32, #tpu.memory_space<hbm>>
      %dma_wait3A_14 = tpu.memref_squeeze %dma_wait3A_13 : memref<1x16xf32, #tpu.memory_space<hbm>> -> memref<16xf32, #tpu.memory_space<hbm>>
      %dma_wait3A_15 = arith.constant 0 : i32
      %dma_wait3A_16 = tpu.memref_slice %arg7[%add3A, %dma_wait3A_15] : memref<32x16xf32, #tpu.memory_space<hbm>> -> memref<1x16xf32, #tpu.memory_space<hbm>>
      %dma_wait3A_17 = tpu.memref_squeeze %dma_wait3A_16 : memref<1x16xf32, #tpu.memory_space<hbm>> -> memref<16xf32, #tpu.memory_space<hbm>>
      tpu.wait_dma2 semaphore(%run_scoped3A : memref<!tpu.dma_semaphore, #tpu.memory_space<semaphore_mem>>) src(%arg17 : memref<16xf32, #tpu.memory_space<vmem>>) dst(%dma_wait3A_17 : memref<16xf32, #tpu.memory_space<hbm>>)
      tpu.yield
    }) : () -> ()
    return
  }
}

</mosaic_0001>

<sc_bundles>
// kernel: kernel.3.cloned.1.call-start
scs
__scs_entry_jumppad:
0x0: {  	(pc) =	sbr.rel $0x88, $3  }
0x1: {  	(tag) =	ssettag $0x0;
	lr =	simm.s32 $0x1  }
0x2: {  	[smem:$0x3F9C] =	sst lr;
	_ =	strace $0xD0000000  }
0x3: {  	_ = 	snop  }
0x4: {  	_ = 	snop  }
0x5: {  	_ = 	snop  }
0x6: {  	_ = 	snop  }
0x7: {  	_ = 	snop  }
__scs_overlays_trampoline_lowered:
0x8: {  	[smem:$0x3FAB] =	sst s0  }
0x9: {  	[smem:$0x3FAC] =	sst s1  }
0xa: {  	[smem:$0x3FAD] =	sst s2  }
0xb: {  	[smem:$0x3FAE] =	sst s3  }
0xc: {  	[smem:$0x3FAF] =	sst s4  }
0xd: {  	[smem:$0x3FB0] =	sst s5  }
0xe: {  	[smem:$0x3FB1] =	sst s6  }
0xf: {  	[smem:$0x3FB2] =	sst s7  }
0x10: {  	[smem:$0x3FB3] =	sst s8  }
0x11: {  	[smem:$0x3FB4] =	sst s9;
	s0 =	simm.s32 @!p0 $0x0  }
0x12: {  	s1 =	sld [smem:$0x3F9A];
	s0 =	simm.s32 @p0 $0x1  }
0x13: {  	[smem:$0x3FB5] =	sst s0;
	s0 =	simm.s32 @!p1 $0x0  }
0x14: {  	s2 =	sld [smem:$0x3F99];
	s0 =	simm.s32 @p1 $0x1  }
0x15: {  	[smem:$0x3FB6] =	sst s0;
	s0 =	simm.s32 @!p2 $0x0  }
0x16: {  	s3 =	sld [smem:$0x3FDB];
	s0 =	simm.s32 @p2 $0x1  }
0x17: {  	s4 =	simm.s32 $0x1BF5;
	[smem:$0x3FB8] =	sst s0  }
0x18: {  	s0 =	sld [smem:$0x3F9B];
	_ =	swait.ge [sflag:s4], $0x0  }
0x19: {  	s7 =	sld [smem:$0x3F9C]  }
0x1a: {  	s8 =	sadd.s32 $0xFFFFE003, lr  }
0x1b: {  	s9 =	sadd.s32 $0xFFFFFEF7, lr;
	s5 =	simm.s32 $0xFFFFFFFF;
	p2 =	slt.u32 s8, $0xFFFFF086  }
0x1c: {  	p1 =	slt.u32 s9, $0xF7A;
	s5 =	simm.s32 @!p2 $0x0  }
0x1d: {  	s5 =	simm.s32 @p1 $0x1;
	p0 =	seq.s32 s7, s2  }
0x1e: {  	s7 =	smul.u32 @!p0 $0xF7A, s2;
	p2 =	seq.s32 @!p0 s5, $0x0  }
0x1f: {  	s9 =	smul.u32 $0xF7A, s1;
	s8 =	simm.s32 @!p0 $0x1BF5;
	p2 =	por !p2, p0  }
0x20: {  	[sflag:s8] =	ssyncset.s32 @!p0 $0xFFFFF086;
	s6 =	sadd.s32 @!p0 s3, s7;
	s7 =	simm.s32 @!p0 $0x108  }
0x21: {  	s3 =	sadd.s32 s3, s9;
	s6 =	sadd.s32 @!p0 $0x88, s6;
	s7 =	simm.s32 @p2 $0x1082  }
0x22: {  	[simem:s7], [sflag:s8] =	dma.local @!p0 [hbm:s6], $0xF7A  }
0x23: {  	s9 =	sor.u32 $0xD0000000, s2;
	s6 =	simm.s32 $0x108;
	_ =	swait.ge @!p0 [sflag:s8], $0x0  }
0x24: {  	s3 =	sadd.s32 $0x88, s3;
	s6 =	simm.s32 @!p1 $0x1082;
	[sflag:s4] =	ssyncset.s32 $0xFFFFF086  }
0x25: {  	[simem:s6], [sflag:s4] =	dma.local [hbm:s3], $0xF7A  }
0x26: {  	[smem:$0x3F9C] =	sst s1;
	(tag) =	ssettag s2;
	_ =	strace s9  }
0x27: {  	s1 =	sld [smem:$0x3FAC]  }
0x28: {  	s2 =	sld [smem:$0x3FAD]  }
0x29: {  	s4 =	sld [smem:$0x3FAF]  }
0x2a: {  	p0 =	seq.s32 s5, $0x0;
	s5 =	sld [smem:$0x3FB0]  }
0x2b: {  	s6 =	sld [smem:$0x3FB1]  }
0x2c: {  	s7 =	sld [smem:$0x3FB2]  }
0x2d: {  	s3 =	simm.s32 $0x108;
	s8 =	sld [smem:$0x3FB3]  }
0x2e: {  	s3 =	simm.s32 @!p0 $0x1082;
	s9 =	sld [smem:$0x3FB4]  }
0x2f: {  	lr =	sadd.s32 s0, s3;
	s0 =	sld [smem:$0x3FAB]  }
0x30: {  	s3 =	sld [smem:$0x3FAE]  }
0x31: {  	[smem:$0x3FB7] =	sst s10  }
0x32: {  	s10 =	sld [smem:$0x3FB5];
	_ =	sdelay $0x3  }
0x33: {  	p0 =	seq.s32 s10, $0x1;
	s10 =	sld [smem:$0x3FB7];
	_ =	sdelay $0x3  }
0x34: {  	[smem:$0x3FB7] =	sst s10  }
0x35: {  	s10 =	sld [smem:$0x3FB6];
	_ =	sdelay $0x3  }
0x36: {  	p1 =	seq.s32 s10, $0x1;
	s10 =	sld [smem:$0x3FB7];
	_ =	sdelay $0x3  }
0x37: {  	[smem:$0x3FB7] =	sst s10  }
0x38: {  	s10 =	sld [smem:$0x3FB8]  }
0x39: {  	_ = 	snop;
	(pc) =	sbr.ind lr, $3  }
0x3a: {  	_ = 	snop  }
0x3b: {  	_ = 	snop  }
0x3c: {  	p2 =	seq.s32 s10, $0x1;
	s10 =	sld [smem:$0x3FB7]  }
0x3d: {  	_ =	shalt  }
0x3e: {  	_ =	shalt  }
0x3f: {  	_ =	shalt  }
0x40: {  	_ =	shalt  }
0x41: {  	_ =	shalt  }
0x42: {  	_ =	shalt  }
0x43: {  	_ =	shalt  }
0x44: {  	_ =	shalt  }
0x45: {  	_ =	shalt  }
0x46: {  	_ =	shalt  }
0x47: {  	_ =	shalt  }
0x48: {  	_ =	shalt  }
0x49: {  	_ =	shalt  }
0x4a: {  	_ =	shalt  }
0x4b: {  	_ =	shalt  }
0x4c: {  	_ =	shalt  }
0x4d: {  	_ =	shalt  }
0x4e: {  	_ =	shalt  }
0x4f: {  	_ =	shalt  }
0x50: {  	_ =	shalt  }
0x51: {  	_ =	shalt  }
0x52: {  	_ =	shalt  }
0x53: {  	_ =	shalt  }
0x54: {  	_ =	shalt  }
0x55: {  	_ =	shalt  }
0x56: {  	_ =	shalt  }
0x57: {  	_ =	shalt  }
0x58: {  	_ =	shalt  }
0x59: {  	_ =	shalt  }
0x5a: {  	_ =	shalt  }
0x5b: {  	_ =	shalt  }
0x5c: {  	_ =	shalt  }
0x5d: {  	_ =	shalt  }
0x5e: {  	_ =	shalt  }
0x5f: {  	_ =	shalt  }
0x60: {  	_ =	shalt  }
0x61: {  	_ =	shalt  }
0x62: {  	_ =	shalt  }
0x63: {  	_ =	shalt  }
0x64: {  	_ =	shalt  }
0x65: {  	_ =	shalt  }
0x66: {  	_ =	shalt  }
0x67: {  	_ =	shalt  }
0x68: {  	_ =	shalt  }
0x69: {  	_ =	shalt  }
0x6a: {  	_ =	shalt  }
0x6b: {  	_ =	shalt  }
0x6c: {  	_ =	shalt  }
0x6d: {  	_ =	shalt  }
0x6e: {  	_ =	shalt  }
0x6f: {  	_ =	shalt  }
0x70: {  	_ =	shalt  }
0x71: {  	_ =	shalt  }
0x72: {  	_ =	shalt  }
0x73: {  	_ =	shalt  }
0x74: {  	_ =	shalt  }
0x75: {  	_ =	shalt  }
0x76: {  	_ =	shalt  }
0x77: {  	_ =	shalt  }
0x78: {  	_ =	shalt  }
0x79: {  	_ =	shalt  }
0x7a: {  	_ =	shalt  }
0x7b: {  	_ =	shalt  }
0x7c: {  	_ =	shalt  }
0x7d: {  	_ =	shalt  }
0x7e: {  	_ =	shalt  }
0x7f: {  	_ =	shalt  }
0x80: {  	_ =	shalt  }
0x81: {  	_ =	shalt  }
0x82: {  	_ =	shalt  }
0x83: {  	_ =	shalt  }
0x84: {  	_ =	shalt  }
0x85: {  	_ =	shalt  }
0x86: {  	_ =	shalt  }
0x87: {  	_ =	shalt  }
.Lfunc_end0:
.L_simem_size_0:
called_computation_lowered:
.L_overlay_start_0:
0x88: {  	s2 =	sld [smem:$0x3FD9]  }
0x89: {  	s3 =	sld [smem:$0x3FFE];
	_ =	sdelay $0x1  }
0x8a: {  	s1 =	srdreg.scid  }
0x8b: {  	s0 =	sand.u32 $0x1, s1  }
0x8c: {  	s16 =	sshll.u32 s0, $0xA;
	s2 =	sadd.s32 s3, s2  }
0x8d: {  	s2 =	sadd.s32 s2, s16  }
0x8e: {  	[smem:$0x3FC3] =	sst s2  }
0x8f: {  	_ = 	snop  }
0x90: {  	(tm) =	ssettm $0x1  }
0x91: {  	s17 =	sld [smem:$0x3FFB];
	_ =	sdelay $0x3  }
0x92: {  	_ =	strace s17  }
0x93: {  	s2 =	sld [smem:$0x3FFC];
	_ =	sdelay $0x3  }
0x94: {  	_ =	strace s2  }
0x95: {  	s2 =	sld [smem:$0x3FFD];
	_ =	sdelay $0x3  }
0x96: {  	_ =	strace s2  }
0x97: {  	_ =	strace $0x8FFFFFFF  }
0x98: {  	s18 =	sld [smem:$0x3FDB];
	_ =	sdelay $0x1  }
0x99: {  	s19 =	simm.s32 $_scs_section_size  }
0x9a: {  	s4 =	simm.s32 $_size__tile_overlayer_lowered;
	s5 =	simm.s32 $_tile_overlayer_lowered  }
0x9b: {  	s22 =	simm.s32 $0x1BFF;
	s21 =	sshll.u32 s5, $0x1;
	s2 =	sadd.s32 s19, s18  }
0x9c: {  	s6 =	simm.s32 $0x0;
	s20 =	sshll.u32 s4, $0x1;
	s4 =	sadd.s32 s21, s2  }
0x9d: {  	[timem:s6], [sflag:s22] =	dma.local [hbm:s4], s20  }
0x9e: {  	_ =	swait.ge [sflag:s22], s20  }
0x9f: {  	s3 =	ssub.s32 $0x0, s20;
	[sflag:s22] =	ssyncset.done $0x0  }
0xa0: {  	[sflag:s22] =	ssyncadd.s32 s3;
	_ =	sdelay $0x1  }
0xa1: {  	s23 =	simm.s32 $0x1B8B  }
0xa2: {  	_ =	swait.ge [sflag:s23], $0x1  }
0xa3: {  	[sflag:s23] =	ssyncset.done $0x0  }
0xa4: {  	s25 =	simm.s32 $0x1B8E;
	s24 =	sld [smem:$0x3FFE];
	[sflag:s23] =	ssyncadd.s32 $0xFFFFFFFF  }
0xa5: {  	s26 =	simm.s32 $execute0_lowered;
	[smem:$0x3FD2] =	sst s25  }
0xa6: {  	s4 =	sshll.u32 s26, $0x1;
	_ =	strace $0x80000046;
	[dreg:$0x1] =	wrdreg $0xFFFFFFFF  }
0xa7: {  	s28 =	simm.s32 $_size_execute0_lowered;
	s2 =	sadd.s32 s2, s4;
	[dreg:$0x0] =	wrdreg $0x0  }
0xa8: {  	s4 =	sshll.u32 s28, $0x1;
	[dreg:$0x2] =	wrdreg s2  }
0xa9: {  	[dreg:$0x3] =	wrdreg s4  }
0xaa: {  	[dreg:$0x4] =	wrdreg $0xC0  }
0xab: {  	_ =	task [dreg:s6], $0x5FFFF  }
0xac: {  	[dreg:$0x1] =	wrdreg $0xFFFFFFFF  }
0xad: {  	[dreg:$0x0] =	wrdreg $0x60  }
0xae: {  	[dreg:$0x2] =	wrdreg s24  }
0xaf: {  	[dreg:$0x3] =	wrdreg $0x9  }
0xb0: {  	_ =	task.clear_ibuf [dreg:s6], $0x4FFFF;
	_ =	strace $0x90000046  }
0xb1: {  	s29 =	simm.s32 $0x9;
	_ =	strace $0x80000048  }
0xb2: {  	_ =	swait.ge [sflag:s29], $0x1  }
0xb3: {  	[sflag:s29] =	ssyncadd.s32 $0xFFFFFFFF  }
0xb4: {  	_ =	strace $0x90000048  }
0xb5: {  	_ =	sfence  }
0xb6: {  	s30 =	sld [smem:$0x0];
	_ =	sdelay $0x2  }
0xb7: {  	s31 =	sshll.u32 s1, $0xD;
	s1 =	sshrl.u32 s1, $0x2  }
0xb8: {  	s3 =	sand.u32 $0x4000, s31;
	s1 =	sadd.s32 s1, s30  }
0xb9: {  	s0 =	sor.u32 s3, s0;
	s1 =	sshll.u32 s1, $0x11  }
0xba: {  	s0 =	sor.u32 s1, s0  }
0xbb: {  	s0 =	sadd.s32 $0x8F2B, s0  }
0xbc: {  	[sflag:s0] =	ssyncadd.remote.s32 $0x1  }
0xbd: {  	_ =	sfence.sel $0xFFFF  }
0xbe: {  	[dreg:$0x0] =	wrdreg $0xFFFFFFFF;
	(pc) =	sbr.abs _section_cstart, $3  }
0xbf: {  	[dreg:$0x1] =	wrdreg $0xFFFFFFFF  }
0xc0: {  	_ =	task.clear_ibuf [dreg:s6], $0x2FFFF;
	_ =	strace $0x9FFFFFFF  }
0xc1: {  	(tm) =	ssettm $0x7FFFFFFF  }
tec
execute0_lowered:
.L_overlay_start_1:
0x0: {  	(tag) =	ssettag $0x1  }
0x1: {  	v26 =	vlaneseq.u32;
	v0 =	vimm.s32 $0xFEDCBA9;
	v1 =	vimm.s32 $0x87654321  }
0x2: {  	v2 =	vimm.s32 $0x10FEDCBA;
	v3 =	vimm.s32 $0x98765432;
	v4 =	vimm.s32 $0x210FEDCB  }
0x3: {  	v5 =	vimm.s32 $0xA9876543;
	v6 =	vimm.s32 $0x3210FEDC;
	v7 =	vimm.s32 $0xBA987654  }
0x4: {  	v11 =	vimm.s32 $0x43210FED;
	v12 =	vimm.s32 $0xCBA98765;
	v13 =	vimm.s32 $0x6543210F  }
0x5: {  	v14 =	vimm.s32 $0xEDCBA987;
	v15 =	vimm.s32 $0xFEDCBA98;
	v16 =	vimm.s32 $0x76543210  }
0x6: {  	v20 =	vadd.s32 $0x1, v26;
	v0 =	vunpack.c.l.s4.s8 v0;
	v59 =	vmul.u32 $0x80, v26  }
0x7: {  	v1 =	vunpack.c.l.s4.s8 v1;
	v2 =	vunpack.c.l.s4.s8 v2;
	v3 =	vunpack.c.l.s4.s8 v3  }
0x8: {  	v4 =	vunpack.c.l.s4.s8 v4;
	v5 =	vunpack.c.l.s4.s8 v5;
	v6 =	vunpack.c.l.s4.s8 v6  }
0x9: {  	v7 =	vunpack.c.l.s4.s8 v7;
	v11 =	vunpack.c.l.s4.s8 v11;
	v13 =	vunpack.c.l.s4.s8 v13  }
0xa: {  	v14 =	vunpack.c.l.s4.s8 v14;
	v15 =	vunpack.c.l.s4.s8 v15;
	v0 =	vunpack.c.0.s8.s32 v0  }
0xb: {  	v1 =	vunpack.c.0.s8.s32 v1;
	v2 =	vunpack.c.0.s8.s32 v2;
	v3 =	vunpack.c.0.s8.s32 v3  }
0xc: {  	v4 =	vunpack.c.0.s8.s32 v4;
	v5 =	vunpack.c.0.s8.s32 v5;
	v6 =	vunpack.c.0.s8.s32 v6  }
0xd: {  	s1 =	simm.s32 $0x0;
	v7 =	vunpack.c.0.s8.s32 v7;
	v8 =	vcombine.low v1, v0;
	v9 =	vcombine.low v3, v2  }
0xe: {  	[smem:$0x7FF] =	sst s1;
	v13 =	vunpack.c.0.s8.s32 v13;
	v10 =	vcombine.low v5, v4;
	v0 =	vcombine.low v0, v1  }
0xf: {  	s0 =	rddreg [dreg:$0x0];
	_ =	strace $0x80000047;
	[tilespmem:$0x1FEF0] =	vst v20;
	v14 =	vunpack.c.0.s8.s32 v14;
	v60 =	vcombine.low v2, v3;
	v61 =	vcombine.low v4, v5  }
0x10: {  	[tilespmem:$0x1FFB0] =	vst v59;
	v62 =	vcombine.low v6, v7;
	v23 =	vand.u32 $0xF, v8;
	v19 =	vand.u32 $0xF, v9  }
0x11: {  	v8 =	vunpack.c.l.s4.s8 v12;
	v44 =	vand.u32 $0xF, v10;
	v9 =	vcombine.low v7, v6;
	[tilespmem:$0x1FF00] =	vst v23  }
0x12: {  	v10 =	vunpack.c.0.s8.s32 v11;
	v11 =	vimm.s32 $0x543210FE;
	v12 =	vimm.s32 $0xDCBA9876;
	[tilespmem:$0x1FF10] =	vst v19  }
0x13: {  	v6 =	vand.u32 $0xF, v0;
	v11 =	vunpack.c.l.s4.s8 v11;
	v12 =	vunpack.c.l.s4.s8 v12;
	[tilespmem:$0x1FF20] =	vst v44  }
0x14: {  	s28 =	srdreg.scid;
	s7 =	stileid.u32;
	s13 =	simm.s32 $0x2;
	v27 =	vand.u32 $0xF, v62;
	[tilespmem:$0x1FF80] =	vst v6;
	v8 =	vunpack.c.0.s8.s32 v8;
	v47 =	vand.u32 $0xF, v9  }
0x15: {  	s14 =	simm.s32 $0x300;
	s15 =	simm.s32 $0x600;
	s16 =	simm.s32 $0x140;
	[tilespmem:$0x1FFE0] =	vst v27;
	v11 =	vunpack.c.0.s8.s32 v11;
	v17 =	vunpack.c.0.s8.s32 v12;
	v12 =	vunpack.c.l.s4.s8 v16  }
0x16: {  	s17 =	simm.s32 $0x700;
	s18 =	simm.s32 $0xA700;
	s20 =	simm.s32 $0x14700;
	[tilespmem:$0x1FF30] =	vst v47;
	v9 =	vcombine.low v8, v10;
	v4 =	vcombine.low v10, v8;
	v8 =	vand.u32 $0xF, v60  }
0x17: {  	s19 =	simm.s32 $0x20;
	s2 =	sadd.s32 $0x12C0600, s0;
	s4 =	sadd.s32 $0x1518600, s0;
	v15 =	vunpack.c.0.s8.s32 v15;
	v18 =	vcombine.low v14, v13;
	v10 =	vand.u32 $0xF, v61;
	[tilespmem:$0x1FF90] =	vst v8  }
0x18: {  	s5 =	sadd.s32 $0x600, s0;
	s1 =	sand.u32 $0x1, s28;
	s3 =	sshll.u32 s7, $0x1;
	v12 =	vunpack.c.0.s8.s32 v12;
	v16 =	vcombine.low v17, v11;
	[tilespmem:$0x1FFA0] =	vst v10;
	v9 =	vand.u32 $0xF, v9  }
0x19: {  	s6 =	sadd.s32 $0xCE00, s0;
	s10 =	smul.u32 $0x3200, s7;
	s3 =	sor.u32 s1, s3;
	v15 =	vand.u32 $0xF, v15;
	v5 =	vcombine.low v13, v14;
	v13 =	vand.u32 $0xF, v4;
	[tilespmem:$0x1FF40] =	vst v9  }
0x1a: {  	s9 =	smul.u32 $0x1900, s1;
	s1 =	ssub.s32 $0x2, s1;
	s8 =	sshll.u32 s3, $0x4;
	v31 =	vcombine.low v15, v12;
	v15 =	vand.u32 $0xF, v16;
	[tilespmem:$0x1FFC0] =	vst v13  }
0x1b: {  	s7 =	sadd.s32 $0x6A00, s0;
	s29 =	sshrl.u32 s1, $0x1;
	s0 =	sadd.s32 s8, s0;
	v63 =	vcombine.low v11, v17;
	v16 =	vand.u32 $0xF, v18;
	[tilespmem:$0x1FF60] =	vst v15  }
0x1c: {  	s21 =	simm.s32 $0x1;
	s1 =	ssub.s32 s1, s29;
	s0 =	sadd.s32 $0xD800, s0;
	v18 =	vand.u32 $0xF, v5;
	[tilespmem:$0x1FF70] =	vst v16  }
0x1d: {  	s9 =	sadd.s32 s9, s10;
	s30 =	smax.u32 s1, $0x1;
	[dreg:$0x2] =	wrdreg s0;
	v29 =	vand.u32 $0xF, v63;
	[tilespmem:$0x1FFD0] =	vst v18  }
0x1e: {  	s22 =	simm.s32 $0x680;
	s31 =	ssub.s32 $0xC350, s9;
	[dreg:$0x3] =	wrdreg s30;
	[tilespmem:$0x1FFF0] =	vst v29  }
0x1f: {  	v24 =	vimm.s32 $0x0;
	s24 =	simm.s32 $0x0;
	s8 =	smul.u32 $0x1900, s3;
	[dreg:$0x4] =	wrdreg s31;
	[tilespmem:$0x1FF50] =	vst v31  }
.LBB2_1:
0x20: {  	v0 =	vimm.f32 $0.0e+00;
	s25 =	smov.u32 s9;
	s26 =	rddreg [dreg:$0x4];
	s28 =	simm.s32 $0x0  }
.LBB2_2:
0x21: {  	s0 =	smul.u32 $0x140, s28;
	_ =	sdelay $0x1  }
0x22: {  	s29 =	sadd.s32 s8, s0  }
0x23: {  	s0 =	sshrl.u32 s29, $0x3  }
0x24: {  	[tilespmem:$0x1FEE0] =	vst v0;
	s3 =	simm.s32 $0x0;
	s1 =	sadd.s32 s5, s0  }
0x25: {  	[tilespmem:s3], [sflag:$0x2] =	stream.linear.gather [hbm4b:s1+s3], $0x140, $0x38;
	[tilespmem:$0x15780] =	vst v63  }
0x26: {  	s10 =	smulhi.u32 $0xCCCCCCCD, s29;
	_ =	swait.ge [sflag:s13], $0x140  }
0x27: {  	s11 =	sshrl.u32 s25, $0x4;
	[sflag:s13] =	ssyncset.done $0x0  }
0x28: {  	s0 =	sadd.s32 s7, s0;
	s1 =	sshrl.u32 s10, $0x6;
	[sflag:s13] =	ssyncadd.s32 $0xFFFFFEC0  }
0x29: {  	[tilespmem:s14], [sflag:$0x2] =	stream.linear.gather [hbm4b:s0+s3], $0x140, $0x38;
	[tilespmem:$0x15780] =	vst v63  }
0x2a: {  	s0 =	sadd.s32 s6, s1;
	s1 =	smulhi.u32 $0xA7C5AC5, s11  }
0x2b: {  	_ =	swait.ge [sflag:s13], $0x140  }
0x2c: {  	[sflag:s13] =	ssyncset.done $0x0;
	s12 =	sshrl.u32 s1, $0x7  }
0x2d: {  	[sflag:s13] =	ssyncadd.s32 $0xFFFFFEC0;
	s1 =	smul.u32 $0xC350, s12  }
0x2e: {  	[tilespmem:s15], [sflag:$0x2] =	stream.linear.gather [hbm4b:s0+s3], $0x20, $0x38;
	[tilespmem:$0x15780] =	vst v63  }
0x2f: {  	_ =	swait.ge [sflag:s13], $0x20  }
0x30: {  	s1 =	sadd.s32 s1, s26;
	[sflag:s13] =	ssyncset.done $0x0  }
0x31: {  	s31 =	simm.s32 $0x0;
	v0 =	vmov s1;
	s1 =	sadd.s32 $0x10, s25;
	[sflag:s13] =	ssyncadd.s32 $0xFFFFFFE0  }
0x32: {  	s0 =	smul.u32 $0x4B000, s12;
	vm0 =	vlt.u32 v0, v20;
	s23 =	sshrl.u32 s1, $0x4;
	v1 =	vld [tilespmem:s31+$0x0]  }
0x33: {  	v0 =	vsel vm0, $0x4B000, v24;
	v2 =	vld [tilespmem:s31+$0x300];
	s11 =	smulhi.u32 $0xA7C5AC5, s23  }
0x34: {  	v0 =	vadd.s32 s0, v0  }
0x35: {  	vm14 =	vlt.s32 v0, $0xE1000;
	s11 =	sshrl.u32 s11, $0x7  }
0x36: {  	v0 =	vnsel vm14, $0xE1000, v0;
	s12 =	smul.u32 $0xC350, s11  }
0x37: {  	s3 =	sadd.s32 $0xFFFFFFF0, s26;
	v3 =	vadd.s32 v0, v1  }
0x38: {  	v0 =	vadd.s32 v0, v2;
	s12 =	sadd.s32 s12, s3;
	v3 =	vshra.s32 v3, $0x3  }
0x39: {  	s30 =	sshrl.u32 s10, $0x3;
	s1 =	sadd.s32 $0x10, s1;
	s0 =	simm.s32 $0x10;
	v1 =	vshll.u32 v1, $0x4;
	v4 =	vmov s12;
	[tilespmem:s31+$0x0] =	vst v3;
	v3 =	vshra.s32 v0, $0x3  }
0x3a: {  	s10 =	simm.s32 $0xC0;
	s11 =	smul.u32 $0x4B000, s11;
	v2 =	vshll.u32 v2, $0x4;
	v5 =	vand.u32 $0x70, v1;
	s12 =	sshrl.u32 s1, $0x4;
	vm15 =	vlt.u32 v4, v20;
	v0 =	vld [tilespmem:s0+$0x0];
	[tilespmem:s31+$0x300] =	vst v3  }
0x3b: {  	s23 =	simm.s32 $0x80;
	v2 =	vand.u32 $0x70, v2;
	s12 =	smulhi.u32 $0xA7C5AC5, s12;
	v3 =	vsel vm15, $0x4B000, v24;
	v1 =	vld [tilespmem:s0+$0x300];
	[tilespmem:s31+$0x180] =	vst v5  }
.LBB2_3:
0x3c: {  	p0 =	sne.s32 s10, $0x4C0;
	v3 =	vadd.s32 s11, v3;
	[tilespmem:s31+$0x480] =	vst v2;
	s31 =	smov.u32 s0  }
0x3d: {  	s11 =	sshrl.u32 s12, $0x7;
	vm0 =	vlt.s32 v3, $0xE1000  }
0x3e: {  	s0 =	smul.u32 $0xC350, s11;
	v2 =	vnsel vm0, $0xE1000, v3  }
.Ltmp0:
0x3f: {  	s3 =	sadd.s32 $0xFFFFFFF0, s3;
	v3 =	vadd.s32 v2, v0;
	v0 =	vshll.u32 v0, $0x4;
	(pc) =	sbr.rel @p0 .LBB2_3-.Ltmp0, $4  }
0x40: {  	s0 =	sadd.s32 s0, s3;
	v3 =	vshra.s32 v3, $0x3;
	v2 =	vadd.s32 v2, v1;
	v1 =	vshll.u32 v1, $0x4  }
0x41: {  	s1 =	sadd.s32 $0x10, s1;
	v5 =	vand.u32 $0x70, v0;
	v4 =	vmov s0;
	s0 =	sshra.s32 s23, $0x2;
	[tilespmem:s31+$0x0] =	vst v3;
	v3 =	vshra.s32 v2, $0x3;
	s23 =	smov.u32 s10  }
0x42: {  	s12 =	sshrl.u32 s1, $0x4;
	s11 =	smul.u32 $0x4B000, s11;
	v2 =	vand.u32 $0x70, v1;
	vm0 =	vlt.u32 v4, v20;
	v0 =	vld [tilespmem:s0+$0x0];
	[tilespmem:s31+$0x300] =	vst v3  }
0x43: {  	s12 =	smulhi.u32 $0xA7C5AC5, s12;
	s10 =	sadd.s32 $0x40, s10;
	v3 =	vsel vm0, $0x4B000, v24;
	v1 =	vld [tilespmem:s0+$0x300];
	[tilespmem:s31+$0x180] =	vst v5  }
0x44: {  	v3 =	vadd.s32 s11, v3  }
0x45: {  	vm0 =	vlt.s32 v3, $0xE1000;
	s1 =	sshrl.u32 s12, $0x7  }
0x46: {  	v3 =	vnsel vm0, $0xE1000, v3;
	s10 =	smul.u32 $0xC350, s1  }
0x47: {  	s3 =	sadd.s32 $0xFFFFFFF0, s3;
	v4 =	vadd.s32 v3, v0  }
0x48: {  	[tilespmem:s31+$0x480] =	vst v2;
	v2 =	vshra.s32 v4, $0x3;
	s3 =	sadd.s32 s10, s3;
	v3 =	vadd.s32 v3, v1  }
0x49: {  	s10 =	sshra.s32 s23, $0x2;
	[tilespmem:s0+$0x0] =	vst v2;
	v2 =	vmov s3;
	v3 =	vshra.s32 v3, $0x3  }
0x4a: {  	s1 =	smul.u32 $0x4B000, s1;
	v4 =	vld [tilespmem:s10+$0x0];
	vm8 =	vlt.u32 v2, v20;
	[tilespmem:s0+$0x300] =	vst v3  }
0x4b: {  	v2 =	vsel vm8, $0x4B000, v24;
	v3 =	vld [tilespmem:s10+$0x300]  }
0x4c: {  	v2 =	vadd.s32 s1, v2  }
0x4d: {  	v0 =	vshll.u32 v0, $0x4;
	vm9 =	vlt.s32 v2, $0xE1000  }
0x4e: {  	v1 =	vshll.u32 v1, $0x4;
	v0 =	vand.u32 $0x70, v0;
	s23 =	smulhi.u32 $0x346DC5D7, s30;
	v2 =	vnsel vm9, $0xE1000, v2  }
0x4f: {  	v1 =	vand.u32 $0x70, v1;
	s3 =	sor.u32 $0x10, s30;
	[tilespmem:s0+$0x180] =	vst v0;
	v0 =	vadd.s32 v2, v4  }
0x50: {  	s11 =	sshrl.u32 s23, $0xA;
	s23 =	smulhi.u32 $0x346DC5D7, s3;
	[tilespmem:s0+$0x480] =	vst v1;
	v0 =	vshra.s32 v0, $0x3;
	v1 =	vadd.s32 v2, v3  }
0x51: {  	s12 =	sshrl.u32 s29, $0x4;
	s0 =	smul.u32 $0x1388, s11;
	v2 =	vshll.u32 v4, $0x4;
	[tilespmem:s10+$0x0] =	vst v0;
	v0 =	vshra.s32 v1, $0x3  }
0x52: {  	s11 =	smulhi.u32 $0xA7C5AC5, s12;
	s1 =	sshrl.u32 s23, $0xA;
	v1 =	vshll.u32 v3, $0x4;
	v2 =	vand.u32 $0x70, v2;
	[tilespmem:s10+$0x300] =	vst v0  }
0x53: {  	s0 =	ssub.s32 s0, s30;
	s12 =	smul.u32 $0x1388, s1;
	v0 =	vand.u32 $0x70, v1;
	[tilespmem:s10+$0x180] =	vst v2  }
0x54: {  	s0 =	sadd.s32 $0x1388, s0;
	[tilespmem:s10+$0x480] =	vst v0  }
0x55: {  	s23 =	sshrl.u32 s11, $0x7;
	s3 =	ssub.s32 s12, s3;
	v0 =	vmov s0;
	v1 =	vld [tilespmem:$0x600]  }
0x56: {  	s10 =	smul.u32 $0x4B000, s23;
	s0 =	sadd.s32 $0x1388, s3;
	vm10 =	vlt.u32 v0, v20  }
0x57: {  	v2 =	vmov s0;
	v3 =	vld [tilespmem:$0x610];
	v0 =	vsel vm10, $0x4B000, v24  }
0x58: {  	s11 =	smul.u32 $0x4B000, s1;
	vm11 =	vlt.u32 v2, v20;
	v0 =	vadd.s32 s10, v0  }
0x59: {  	v2 =	vsel vm11, $0x4B000, v24;
	vm12 =	vlt.s32 v0, $0xE1000  }
0x5a: {  	v2 =	vadd.s32 s11, v2;
	v0 =	vnsel vm12, $0xE1000, v0;
	v4 =	vshll.u32 v1, $0x4  }
0x5b: {  	vm13 =	vlt.s32 v2, $0xE1000;
	v0 =	vadd.s32 v0, v1;
	v1 =	vand.u32 $0x70, v4  }
0x5c: {  	v0 =	vshra.s32 v0, $0x3;
	[tilespmem:$0x680] =	vst v1;
	v1 =	vnsel vm13, $0xE1000, v2;
	v2 =	vshll.u32 v3, $0x4  }
0x5d: {  	[tilespmem:$0x600] =	vst v0;
	v0 =	vadd.s32 v1, v3;
	v1 =	vand.u32 $0x70, v2  }
0x5e: {  	[tilespmem:$0x690] =	vst v1;
	v0 =	vshra.s32 v0, $0x3  }
0x5f: {  	s12 =	simm.s32 $0x0;
	[tilespmem:$0x610] =	vst v0  }
0x60: {  	[tilespmem:s17], [sflag:$0x1] =	stream.indirect.gather [hbm4b:s2+s16], $0x80, s12, s16, $0xb8;
	[tilespmem:$0x15780] =	vst v63  }
0x61: {  	_ = 	snop  }
0x62: {  	[tilespmem:s18], [sflag:$0x1] =	stream.indirect.gather [hbm4b:s4+s16], $0x80, s14, s16, $0xb8;
	[tilespmem:$0x15780] =	vst v63  }
0x63: {  	_ = 	snop  }
0x64: {  	[tilespmem:s20], [sflag:$0x1] =	stream.indirect.gather [hbm4b:s4+s19], $0x80, s15, s19, $0xb8;
	[tilespmem:$0x15780] =	vst v63  }
0x65: {  	_ =	swait.ge [sflag:s21], $0xA000  }
0x66: {  	[sflag:s21] =	ssyncset.done $0x0  }
0x67: {  	[sflag:s21] =	ssyncadd.s32 $0xFFFF6000  }
0x68: {  	_ =	swait.ge [sflag:s21], $0xA000  }
0x69: {  	[sflag:s21] =	ssyncset.done $0x0  }
0x6a: {  	[sflag:s21] =	ssyncadd.s32 $0xFFFF6000  }
0x6b: {  	_ =	swait.ge [sflag:s21], $0x1000  }
0x6c: {  	[sflag:s21] =	ssyncset.done $0x0  }
0x6d: {  	s29 =	simm.s32 $0x480;
	[sflag:s21] =	ssyncadd.s32 $0xFFFFF000  }
0x6e: {  	s30 =	simm.s32 $0x180;
	v0 =	vld [tilespmem:s29+$0x0]  }
0x6f: {  	v1 =	vld [tilespmem:s30+$0x0];
	_ =	sdelay $0x1  }
0x70: {  	v2 =	vmov s12  }
0x71: {  	v28 =	vlaneseq.u32;
	v2 =	vshll.u32 v2, $0x7  }
0x72: {  	v7 =	vor.u32 v59, v2;
	v3 =	vadd.s32 v18, v0;
	v35 =	vadd.s32 v13, v0  }
0x73: {  	v25 =	vadd.s32 v29, v0;
	v39 =	vadd.s32 v27, v0;
	v42 =	vadd.s32 v29, v1  }
0x74: {  	v33 =	vadd.s32 v18, v1;
	v37 =	vadd.s32 v10, v0;
	v41 =	vadd.s32 v8, v0  }
0x75: {  	v40 =	vadd.s32 v27, v1;
	v43 =	vadd.s32 v13, v1;
	v34 =	vadd.s32 v6, v0  }
0x76: {  	v36 =	vadd.s32 v10, v1;
	v4 =	vadd.s32 v16, v0;
	v50 =	vadd.s32 v31, v0  }
0x77: {  	v45 =	vadd.s32 v8, v1;
	v17 =	vadd.s32 v15, v0;
	v49 =	vadd.s32 v6, v1  }
0x78: {  	v20 =	vadd.s32 v9, v0;
	v30 =	vadd.s32 v16, v1;
	v48 =	vadd.s32 v31, v1  }
0x79: {  	v54 =	vadd.s32 v47, v0;
	v56 =	vadd.s32 v15, v1;
	v58 =	vadd.s32 v44, v0  }
0x7a: {  	v21 =	vadd.s32 v9, v1;
	v11 =	vadd.s32 v23, v0;
	v46 =	vadd.s32 v19, v0  }
0x7b: {  	s0 =	smul.u32 $0xCCCD, s12;
	v60 =	vadd.s32 v47, v1;
	v32 =	vadd.s32 v26, v0;
	v26 =	vadd.s32 v19, v1  }
0x7c: {  	v53 =	vadd.s32 v44, v1;
	v12 =	vadd.s32 v28, v1;
	v14 =	vadd.s32 v23, v1  }
0x7d: {  	s0 =	sshrl.u32 s0, $0x13;
	v2 =	vand.u32 $0xFFFFFF80, v25;
	v55 =	vand.u32 $0xFFFFFF80, v3;
	v31 =	vand.u32 $0xFFFFFF80, v33  }
0x7e: {  	s23 =	smul.u32 $0xA, s0;
	v0 =	vand.u32 $0xFFFFFF80, v39;
	v5 =	vand.u32 $0xFFFFFF80, v42;
	v6 =	vand.u32 $0xFFFFFF80, v37  }
0x7f: {  	v9 =	vand.u32 $0xFFFFFF80, v43;
	v61 =	vand.u32 $0xFFFFFF80, v41;
	v23 =	vand.u32 $0xFFFFFF80, v34  }
0x80: {  	s1 =	ssub.s32 $0x0, s23;
	[tilespmem:$0x1FE20] =	vst v3;
	v63 =	vand.u32 $0xFFFFFF80, v36;
	v38 =	vand.u32 $0xFFFFFF80, v4;
	v44 =	vand.u32 $0xFFFFFF80, v49  }
0x81: {  	s1 =	sand.u32 $0xFFFF, s1;
	[tilespmem:$0x1FEB0] =	vst v56;
	v51 =	vand.u32 $0xFFFFFF80, v20;
	v52 =	vand.u32 $0xFFFFFF80, v30;
	v56 =	vand.u32 $0xFFFFFF80, v56  }
0x82: {  	[tilespmem:$0x1FEC0] =	vst v21;
	v57 =	vand.u32 $0xFFFFFF80, v58;
	v19 =	vmovc v58;
	v58 =	vand.u32 $0xFFFFFF80, v21;
	v21 =	vadd.s32 s1, v28  }
0x83: {  	[tilespmem:$0x1FE60] =	vst v4;
	v3 =	vand.u32 $0xFFFFFF80, v46;
	v4 =	vand.u32 $0xFFFFFF80, v60;
	v10 =	vand.u32 $0xFFFFFF80, v11  }
0x84: {  	[tilespmem:$0x1FED0] =	vst v11;
	v11 =	vand.u32 $0xFFFFFF80, v53;
	v29 =	vand.u32 $0xFFFFFF80, v32;
	v1 =	vand.u32 $0xFFFFFF80, v26  }
0x85: {  	[tilespmem:$0x1FE80] =	vst v20;
	vm14 =	vgt.u32 v21, $0x9;
	vm15 =	vgt.u32 v21, $0x13;
	v20 =	vadd.s32 v7, v2  }
0x86: {  	v27 =	vadd.s32 v7, v0;
	v8 =	vadd.s32 v7, v31;
	v0 =	vadd.s32 v7, v63  }
0x87: {  	v63 =	vadd.s32 v7, v51;
	v51 =	vadd.s32 v7, v57;
	v57 =	vadd.s32 v7, v56  }
0x88: {  	v56 =	vadd.s32 v7, v3;
	v3 =	vadd.s32 v7, v1;
	v59 =	vsel vm14, $0x1, v24  }
0x89: {  	v1 =	vand.u32 $0xFFFFFF80, v14;
	v21 =	vadd.s32 s0, v59;
	v59 =	vsel vm15, $0x1, v24  }
0x8a: {  	v24 =	vadd.s32 v7, v6;
	v6 =	vadd.s32 v7, v44;
	v44 =	vadd.s32 v7, v58  }
0x8b: {  	v58 =	vadd.s32 v7, v11;
	v11 =	vadd.s32 v7, v1;
	v1 =	vand.u32 $0x7F, v25  }
0x8c: {  	v15 =	vadd.s32 v7, v9;
	v31 =	vadd.s32 v7, v23;
	v1 =	vor.u32 v1, v20  }
0x8d: {  	v18 =	vadd.s32 v7, v52;
	v52 =	vadd.s32 v7, v4;
	[tilespmem:$0x1FDF0] =	vst v1;
	v1 =	vand.u32 $0x7F, v33  }
0x8e: {  	v4 =	vadd.s32 v7, v29;
	v29 =	vor.u32 v1, v8;
	v1 =	vand.u32 $0x7F, v39  }
0x8f: {  	v28 =	vadd.s32 v7, v61;
	v9 =	vadd.s32 v7, v10;
	v1 =	vor.u32 v1, v27  }
0x90: {  	v59 =	vadd.s32 v59, v21;
	v21 =	vmovc v26;
	v26 =	vadd.s32 v7, v5;
	[tilespmem:$0x1FE10] =	vst v1;
	v1 =	vand.u32 $0x7F, v42  }
0x91: {  	v10 =	vand.u32 $0xFFFFFF80, v12;
	v23 =	vmovc v12;
	v12 =	vor.u32 v1, v26;
	v1 =	vand.u32 $0x7F, v41  }
0x92: {  	v26 =	vor.u32 v1, v28;
	v1 =	vand.u32 $0x7F, v43  }
0x93: {  	v47 =	vand.u32 $0xFFFFFF80, v17;
	v16 =	vmovc v17;
	v17 =	vmovc v32;
	v32 =	vmov v14;
	v14 =	vor.u32 v1, v15;
	v1 =	vld [tilespmem:$0x1FE20];
	_ =	sdelay $0x2  }
0x94: {  	[tilespmem:$0x1FE40] =	vst v34  }
0x95: {  	[tilespmem:$0x1FE50] =	vst v36  }
0x96: {  	[tilespmem:$0x1FE70] =	vst v49;
	v1 =	vand.u32 $0x7F, v1  }
0x97: {  	v22 =	vand.u32 $0xFFFFFF80, v35;
	v62 =	vand.u32 $0xFFFFFF80, v40;
	v34 =	vand.u32 $0xFFFFFF80, v50;
	[tilespmem:$0x1FE30] =	vst v1;
	v1 =	vld [tilespmem:$0x1FE40]  }
0x98: {  	[tilespmem:$0x1FEA0] =	vst v54;
	v36 =	vand.u32 $0xFFFFFF80, v45;
	v49 =	vand.u32 $0xFFFFFF80, v48;
	v54 =	vand.u32 $0xFFFFFF80, v54  }
0x99: {  	[tilespmem:$0x1FE90] =	vst v30;
	v2 =	vadd.s32 v7, v55;
	v22 =	vadd.s32 v7, v22;
	v30 =	vadd.s32 v7, v62  }
0x9a: {  	v36 =	vadd.s32 v7, v36;
	v55 =	vadd.s32 v7, v47;
	v62 =	vadd.s32 v7, v49  }
0x9b: {  	v61 =	vadd.s32 v7, v54;
	[tilespmem:$0x1FDD0] =	vst v2;
	v2 =	vadd.s32 v7, v34;
	v10 =	vadd.s32 v7, v10  }
0x9c: {  	v5 =	vadd.s32 v7, v38;
	v7 =	vand.u32 $0x7F, v35;
	v35 =	vand.u32 $0x7F, v1;
	v1 =	vld [tilespmem:$0x1FE50];
	_ =	sdelay $0x4  }
0x9d: {  	v38 =	vand.u32 $0x7F, v1;
	v1 =	vld [tilespmem:$0x1FE60];
	_ =	sdelay $0x4  }
0x9e: {  	v49 =	vand.u32 $0x7F, v1;
	v1 =	vld [tilespmem:$0x1FE70];
	_ =	sdelay $0x4  }
0x9f: {  	v54 =	vand.u32 $0x7F, v1;
	v1 =	vld [tilespmem:$0x1FE80];
	_ =	sdelay $0x4  }
0xa0: {  	v33 =	vand.u32 $0x7F, v50;
	v50 =	vand.u32 $0x7F, v1;
	v1 =	vld [tilespmem:$0x1FE90];
	_ =	sdelay $0x4  }
0xa1: {  	v34 =	vand.u32 $0x7F, v1;
	v1 =	vld [tilespmem:$0x1FEA0];
	_ =	sdelay $0x4  }
0xa2: {  	v47 =	vand.u32 $0x7F, v45;
	v45 =	vand.u32 $0x7F, v1;
	v1 =	vld [tilespmem:$0x1FEB0];
	_ =	sdelay $0x4  }
0xa3: {  	v42 =	vand.u32 $0x7F, v1;
	v1 =	vld [tilespmem:$0x1FEC0];
	_ =	sdelay $0x2  }
0xa4: {  	v7 =	vor.u32 v7, v22  }
0xa5: {  	[tilespmem:$0x1FDE0] =	vst v7;
	v7 =	vand.u32 $0x7F, v37  }
0xa6: {  	v7 =	vor.u32 v7, v24;
	v24 =	vand.u32 $0x7F, v1;
	v1 =	vld [tilespmem:$0x1FED0]  }
0xa7: {  	v46 =	vand.u32 $0x7F, v46  }
0xa8: {  	v53 =	vand.u32 $0x7F, v53;
	v19 =	vand.u32 $0x7F, v19;
	v8 =	vand.u32 $0x7F, v23  }
0xa9: {  	v41 =	vand.u32 $0x7F, v16;
	v16 =	vand.u32 $0x7F, v48;
	v48 =	vand.u32 $0x7F, v17  }
0xaa: {  	[tilespmem:$0x1FE00] =	vst v7;
	v7 =	vand.u32 $0x7F, v40;
	v43 =	vand.u32 $0x7F, v60;
	v60 =	vand.u32 $0x7F, v21  }
0xab: {  	s31 =	simm.s32 $0x10;
	v13 =	vor.u32 v7, v30;
	v7 =	vand.u32 $0x7F, v32;
	v1 =	vand.u32 $0x7F, v1  }
.LBB2_5:
0xac: {  	v25 =	vld [tilespmem:$0x1FFD0]  }
0xad: {  	v27 =	vld [tilespmem:$0x1FFE0]  }
0xae: {  	v30 =	vld [tilespmem:$0x1FFC0]  }
0xaf: {  	[tilespmem:$0x1FCE0] =	vst v26;
	v26 =	vld [tilespmem:$0x1FFA0]  }
0xb0: {  	v2 =	vor.u32 v33, v2;
	v39 =	vld [tilespmem:$0x1FF60]  }
0xb1: {  	v15 =	vor.u32 v50, v63;
	v33 =	vld [tilespmem:$0x1FF50];
	[tilespmem:$0x1FCC0] =	vst v2  }
0xb2: {  	v0 =	vor.u32 v38, v0;
	v1 =	vor.u32 v1, v9;
	v38 =	vld [tilespmem:$0x1FF40];
	v2 =	vor.u32 v35, v31;
	[tilespmem:$0x1FC90] =	vst v15  }
0xb3: {  	v9 =	vor.u32 v53, v58;
	v58 =	vld.idx.msk [tilespmem:v29+s17+$0x0], $0xffff;
	v15 =	vor.u32 v41, v55;
	[tilespmem:$0x1FCD0] =	vst v2  }
0xb4: {  	v2 =	vld.idx.msk [tilespmem:v59+s22+$0x0], $0xffff;
	[tilespmem:$0x1FCA0] =	vst v15;
	v15 =	vor.u32 v45, v61  }
0xb5: {  	[tilespmem:$0x1FC80] =	vst v15;
	v15 =	vld [tilespmem:$0x1FF20]  }
0xb6: {  	v5 =	vor.u32 v49, v5;
	v63 =	vld.idx.msk [tilespmem:v13+s17+$0x0], $0xffff  }
0xb7: {  	[tilespmem:$0x1FCB0] =	vst v5;
	v5 =	vor.u32 v54, v6;
	v6 =	vor.u32 v47, v36;
	v36 =	vld [tilespmem:$0x1FF80]  }
0xb8: {  	v49 =	vor.u32 v42, v57;
	v31 =	vld [tilespmem:$0x1FF90]  }
0xb9: {  	v46 =	vor.u32 v46, v56;
	v40 =	vor.u32 v19, v51;
	v43 =	vor.u32 v43, v52;
	v35 =	vld [tilespmem:$0x1FF70]  }
0xba: {  	v4 =	vor.u32 v48, v4;
	v7 =	vor.u32 v7, v11;
	v21 =	vadd.s32 v15, v2;
	v15 =	vld [tilespmem:$0x1FF30]  }
0xbb: {  	v3 =	vor.u32 v60, v3;
	v8 =	vor.u32 v8, v10;
	v42 =	vshll.u32 v59, $0x7;
	v59 =	vld.idx.msk [tilespmem:v12+s17+$0x0], $0xffff  }
0xbc: {  	v47 =	vor.u32 v16, v62;
	v32 =	vor.u32 v34, v18;
	v37 =	vor.u32 v24, v44;
	v24 =	vld [tilespmem:$0x1FFF0]  }
0xbd: {  	v0 =	vld.idx.msk [tilespmem:v0+s17+$0x0], $0xffff;
	v10 =	vadd.s32 v25, v2;
	v11 =	vadd.s32 v27, v2;
	v34 =	vadd.s32 v30, v2  }
0xbe: {  	v49 =	vld.idx.msk [tilespmem:v49+s17+$0x0], $0xffff;
	v44 =	vadd.s32 v36, v2;
	v45 =	vadd.s32 v31, v2;
	v48 =	vadd.s32 v26, v2  }
0xbf: {  	v1 =	vld.idx.msk [tilespmem:v1+s18+$0x0], $0xffff;
	v50 =	vadd.s32 v39, v2;
	v22 =	vadd.s32 v15, v2;
	v15 =	vlaneseq.u32  }
0xc0: {  	v51 =	vadd.s32 v35, v2;
	v52 =	vadd.s32 v33, v2;
	v56 =	vadd.s32 v15, v2;
	v15 =	vld [tilespmem:$0x1FF00]  }
0xc1: {  	v23 =	vadd.s32 v38, v2;
	v17 =	vld.idx.msk [tilespmem:v47+s17+$0x0], $0xffff;
	v47 =	vand.u32 $0xFFFFFF80, v22;
	v20 =	vand.u32 $0xFFFFFF80, v56  }
0xc2: {  	v54 =	vand.u32 $0x7F, v22;
	v22 =	vld.idx.msk [tilespmem:v37+s17+$0x0], $0xffff;
	v37 =	vand.u32 $0x7F, v56;
	v20 =	vadd.s32 v42, v20  }
0xc3: {  	v4 =	vld.idx.msk [tilespmem:v4+s18+$0x0], $0xffff;
	v60 =	vand.u32 $0xFFFFFF80, v10;
	v10 =	vand.u32 $0x7F, v10;
	v20 =	vor.u32 v37, v20  }
0xc4: {  	v8 =	vld.idx.msk [tilespmem:v8+s17+$0x0], $0xffff;
	v61 =	vand.u32 $0xFFFFFF80, v34;
	v29 =	vand.u32 $0x7F, v34;
	v28 =	vand.u32 $0xFFFFFF80, v11  }
0xc5: {  	v34 =	vand.u32 $0x7F, v11;
	v11 =	vand.u32 $0xFFFFFF80, v45;
	v57 =	vadd.s32 v15, v2;
	v15 =	vld [tilespmem:$0x1FF10]  }
0xc6: {  	v7 =	vld.idx.msk [tilespmem:v7+s17+$0x0], $0xffff;
	v13 =	vand.u32 $0xFFFFFF80, v44;
	v19 =	vand.u32 $0xFFFFFF80, v21;
	v56 =	vand.u32 $0xFFFFFF80, v57  }
0xc7: {  	v3 =	vld.idx.msk [tilespmem:v3+s17+$0x0], $0xffff;
	v53 =	vand.u32 $0x7F, v21;
	v21 =	vand.u32 $0x7F, v57;
	v37 =	vadd.s32 v42, v56  }
0xc8: {  	v16 =	vand.u32 $0xFFFFFF80, v50;
	v50 =	vand.u32 $0x7F, v50;
	v21 =	vor.u32 v21, v37;
	v20 =	vld.idx.msk [tilespmem:v20+s20+$0x0], $0xffff  }
0xc9: {  	v55 =	vand.u32 $0xFFFFFF80, v23;
	v41 =	vadd.s32 v24, v2;
	[tilespmem:$0x1FD00] =	vst v10;
	v10 =	vld.idx.msk [tilespmem:v14+s17+$0x0], $0xffff;
	v14 =	vand.u32 $0x7F, v44  }
0xca: {  	v9 =	vld.idx.msk [tilespmem:v9+s17+$0x0], $0xffff;
	v44 =	vand.u32 $0xFFFFFF80, v52;
	v62 =	vand.u32 $0xFFFFFF80, v41;
	v2 =	vadd.s32 v15, v2  }
0xcb: {  	v18 =	vld.idx.msk [tilespmem:v32+s17+$0x0], $0xffff;
	v8 =	vadd.f32 v8, v8;
	v32 =	vand.u32 $0x7F, v2;
	v2 =	vand.u32 $0xFFFFFF80, v2  }
0xcc: {  	v13 =	vadd.s32 v42, v13;
	v57 =	vld.idx.msk [tilespmem:v46+s18+$0x0], $0xffff;
	v46 =	vadd.s32 v42, v62;
	v2 =	vadd.s32 v42, v2  }
0xcd: {  	v62 =	vadd.f32 v0, v0;
	v2 =	vor.u32 v32, v2;
	v0 =	vld.idx.msk [tilespmem:v21+s20+$0x0], $0xffff;
	v8 =	vsub.f32 v8, v20  }
0xce: {  	v40 =	vld.idx.msk [tilespmem:v40+s18+$0x0], $0xffff;
	v16 =	vadd.s32 v42, v16;
	v12 =	vand.u32 $0x7F, v41;
	v19 =	vadd.s32 v42, v19  }
0xcf: {  	v19 =	vor.u32 v53, v19;
	v20 =	vsub.f32 v4, v20;
	v4 =	vsub.f32 v8, v4;
	v8 =	vld [tilespmem:$0x1FC80]  }
0xd0: {  	v6 =	vld.idx.msk [tilespmem:v6+s17+$0x0], $0xffff;
	v7 =	vadd.f32 v7, v7;
	v37 =	vadd.f32 v10, v10;
	v10 =	vadd.s32 v42, v47  }
0xd1: {  	v5 =	vld.idx.msk [tilespmem:v5+s17+$0x0], $0xffff;
	v16 =	vor.u32 v50, v16;
	v3 =	vadd.f32 v3, v3;
	v10 =	vor.u32 v54, v10  }
0xd2: {  	[tilespmem:$0x1FCF0] =	vst v12;
	v12 =	vand.u32 $0x7F, v52;
	v52 =	vand.u32 $0x7F, v23;
	v2 =	vld.idx.msk [tilespmem:v2+s20+$0x0], $0xffff;
	v7 =	vsub.f32 v7, v0  }
0xd3: {  	v23 =	vld.idx.msk [tilespmem:v43+s17+$0x0], $0xffff;
	v43 =	vadd.s32 v42, v60;
	v60 =	vadd.s32 v42, v61;
	v61 =	vadd.s32 v42, v44  }
0xd4: {  	v19 =	vld.idx.msk [tilespmem:v19+s20+$0x0], $0xffff;
	v4 =	vmul.f32 v4, v20;
	v0 =	vsub.f32 v1, v0;
	v1 =	vsub.f32 v7, v1  }
0xd5: {  	v56 =	vadd.s32 v42, v28;
	v28 =	vadd.f32 v58, v58;
	v58 =	vadd.s32 v42, v55;
	v7 =	vld [tilespmem:$0x1FC90]  }
0xd6: {  	v21 =	vor.u32 v52, v58;
	v10 =	vld.idx.msk [tilespmem:v10+s20+$0x0], $0xffff;
	v4 =	vadd.f32 $0.0e+00, v4;
	v0 =	vmul.f32 v1, v0  }
0xd7: {  	v9 =	vadd.f32 v9, v9;
	v12 =	vor.u32 v12, v61;
	v8 =	vld.idx.msk [tilespmem:v8+s18+$0x0], $0xffff;
	v3 =	vsub.f32 v3, v2  }
0xd8: {  	v23 =	vadd.f32 v23, v23;
	v15 =	vand.u32 $0xFFFFFF80, v51;
	v0 =	vadd.f32 v0, v4;
	v4 =	vld [tilespmem:$0x1FCB0]  }
0xd9: {  	v51 =	vand.u32 $0x7F, v51;
	v15 =	vadd.s32 v42, v15;
	v1 =	vsub.f32 v3, v57;
	v3 =	vld [tilespmem:$0x1FCA0]  }
0xda: {  	v16 =	vld.idx.msk [tilespmem:v16+s20+$0x0], $0xffff;
	v9 =	vsub.f32 v9, v19;
	v15 =	vor.u32 v51, v15;
	v2 =	vsub.f32 v57, v2  }
0xdb: {  	v45 =	vand.u32 $0x7F, v45;
	v13 =	vor.u32 v14, v13;
	v14 =	vsub.f32 v40, v19;
	v21 =	vld.idx.msk [tilespmem:v21+s20+$0x0], $0xffff  }
0xdc: {  	v12 =	vld.idx.msk [tilespmem:v12+s20+$0x0], $0xffff;
	v19 =	vsub.f32 v23, v10;
	v1 =	vmul.f32 v1, v2;
	v2 =	vsub.f32 v9, v40  }
0xdd: {  	v11 =	vadd.s32 v42, v11;
	v22 =	vadd.f32 v22, v22;
	v7 =	vld.idx.msk [tilespmem:v7+s18+$0x0], $0xffff;
	v9 =	vsub.f32 v8, v10  }
0xde: {  	v0 =	vadd.f32 v1, v0;
	v1 =	vmul.f32 v2, v14;
	v2 =	vsub.f32 v19, v8;
	v8 =	vld [tilespmem:$0x1FCC0]  }
0xdf: {  	v41 =	vand.u32 $0x7F, v48;
	v48 =	vand.u32 $0xFFFFFF80, v48;
	v11 =	vor.u32 v45, v11;
	v15 =	vld.idx.msk [tilespmem:v15+s20+$0x0], $0xffff  }
0xe0: {  	v48 =	vadd.s32 v42, v48;
	v10 =	vsub.f32 v22, v21;
	v4 =	vld.idx.msk [tilespmem:v4+s18+$0x0], $0xffff  }
0xe1: {  	v49 =	vadd.f32 v49, v49;
	v20 =	vor.u32 v41, v48;
	v0 =	vadd.f32 v1, v0;
	v3 =	vld.idx.msk [tilespmem:v3+s18+$0x0], $0xffff  }
0xe2: {  	v1 =	vmul.f32 v2, v9;
	v14 =	vsub.f32 v7, v21;
	v2 =	vsub.f32 v10, v7;
	v7 =	vld [tilespmem:$0x1FCD0]  }
0xe3: {  	v18 =	vadd.f32 v18, v18;
	v13 =	vld.idx.msk [tilespmem:v13+s20+$0x0], $0xffff  }
0xe4: {  	v17 =	vadd.f32 v17, v17;
	v11 =	vld.idx.msk [tilespmem:v11+s20+$0x0], $0xffff;
	v19 =	vsub.f32 v49, v16  }
0xe5: {  	v10 =	vsub.f32 v18, v15;
	v0 =	vadd.f32 v1, v0;
	v18 =	vld [tilespmem:$0x1FCF0]  }
0xe6: {  	v1 =	vmul.f32 v2, v14;
	v8 =	vld.idx.msk [tilespmem:v8+s18+$0x0], $0xffff;
	v14 =	vsub.f32 v4, v15;
	v15 =	vsub.f32 v17, v12  }
0xe7: {  	v17 =	vld.idx.msk [tilespmem:v20+s20+$0x0], $0xffff;
	v9 =	vsub.f32 v3, v16;
	v2 =	vsub.f32 v19, v3  }
0xe8: {  	v0 =	vadd.f32 v1, v0;
	v3 =	vld [tilespmem:$0x1FCE0]  }
0xe9: {  	v16 =	vor.u32 v29, v60;
	v1 =	vmul.f32 v2, v9;
	v2 =	vsub.f32 v10, v4;
	v4 =	vld [tilespmem:$0x1FE00]  }
0xea: {  	v7 =	vld.idx.msk [tilespmem:v7+s18+$0x0], $0xffff  }
0xeb: {  	v9 =	vsub.f32 v8, v12;
	v12 =	vld [tilespmem:$0x1FD00]  }
0xec: {  	v0 =	vadd.f32 v1, v0;
	v1 =	vmul.f32 v2, v14;
	v2 =	vsub.f32 v15, v8;
	v8 =	vld [tilespmem:$0x1FE10]  }
0xed: {  	v5 =	vadd.f32 v5, v5;
	v32 =	vadd.f32 v59, v59;
	v59 =	vor.u32 v34, v56;
	v15 =	vld [tilespmem:$0x1FE30]  }
0xee: {  	v14 =	vld.idx.msk [tilespmem:v16+s20+$0x0], $0xffff  }
0xef: {  	v5 =	vsub.f32 v5, v13;
	v16 =	vld [tilespmem:$0x1FDD0]  }
0xf0: {  	v18 =	vor.u32 v18, v46;
	v3 =	vld.idx.msk [tilespmem:v3+s18+$0x0], $0xffff  }
0xf1: {  	v0 =	vadd.f32 v1, v0;
	v1 =	vmul.f32 v2, v9;
	v2 =	vsub.f32 v5, v7;
	v5 =	vld [tilespmem:$0x1FDE0]  }
0xf2: {  	v6 =	vadd.f32 v6, v6;
	v10 =	vld.idx.msk [tilespmem:v59+s20+$0x0], $0xffff;
	v12 =	vor.u32 v12, v43  }
0xf3: {  	v13 =	vsub.f32 v7, v13;
	v4 =	vld.idx.msk [tilespmem:v4+s18+$0x0], $0xffff  }
0xf4: {  	v53 =	vadd.f32 v63, v63;
	v6 =	vsub.f32 v6, v11;
	v8 =	vld.idx.msk [tilespmem:v8+s18+$0x0], $0xffff  }
0xf5: {  	v0 =	vadd.f32 v1, v0;
	v1 =	vmul.f32 v2, v13;
	v7 =	vsub.f32 v3, v11;
	v11 =	vld.idx.msk [tilespmem:v18+s20+$0x0], $0xffff  }
0xf6: {  	v9 =	vsub.f32 v62, v17;
	v15 =	vor.u32 v15, v16;
	v2 =	vsub.f32 v6, v3;
	v3 =	vld [tilespmem:$0x1FDF0]  }
0xf7: {  	s29 =	sadd.s32 $0x10, s29;
	v16 =	vsub.f32 v53, v10;
	v0 =	vadd.f32 v1, v0;
	v6 =	vmov s31;
	v12 =	vld.idx.msk [tilespmem:v12+s20+$0x0], $0xffff  }
0xf8: {  	v13 =	vsub.f32 v4, v17;
	v17 =	vld [tilespmem:s29+$0x0];
	v1 =	vmul.f32 v2, v7;
	v2 =	vsub.f32 v9, v4  }
0xf9: {  	v4 =	vshll.u32 v6, $0x7;
	v5 =	vld.idx.msk [tilespmem:v5+s18+$0x0], $0xffff;
	v6 =	vsub.f32 v8, v10  }
0xfa: {  	s30 =	sadd.s32 $0x10, s30;
	v0 =	vadd.f32 v1, v0;
	v1 =	vmul.f32 v2, v13;
	v2 =	vsub.f32 v16, v8;
	v8 =	vld [tilespmem:$0x1FFB0]  }
0xfb: {  	v62 =	vlaneseq.u32;
	v10 =	vld [tilespmem:s30+$0x0]  }
0xfc: {  	v7 =	vsub.f32 v37, v14;
	v0 =	vadd.f32 v1, v0;
	v1 =	vmul.f32 v2, v6  }
0xfd: {  	v9 =	vld.idx.msk [tilespmem:v15+s18+$0x0], $0xffff;
	v13 =	vadd.s32 v36, v17;
	v15 =	vadd.s32 v33, v17;
	v18 =	vadd.s32 v39, v17  }
0xfe: {  	v20 =	vadd.s32 v38, v17;
	v2 =	vsub.f32 v7, v5;
	v7 =	vsub.f32 v28, v12  }
0xff: {  	v0 =	vadd.f32 v1, v0;
	v22 =	vor.u32 v8, v4;
	v4 =	vsub.f32 v5, v14  }
0x100: {  	v8 =	vsub.f32 v32, v11;
	v5 =	vadd.s32 v25, v17;
	v14 =	vadd.s32 v26, v10  }
0x101: {  	v3 =	vld.idx.msk [tilespmem:v3+s18+$0x0], $0xffff;
	v16 =	vadd.s32 v31, v10;
	v19 =	vadd.s32 v36, v10;
	v21 =	vadd.s32 v35, v10  }
0x102: {  	v29 =	vadd.s32 v33, v10;
	v34 =	vadd.s32 v39, v10;
	v43 =	vadd.s32 v38, v10  }
0x103: {  	v55 =	vadd.s32 v62, v10;
	v63 =	vand.u32 $0x7F, v5;
	v37 =	vand.u32 $0xFFFFFF80, v5  }
0x104: {  	v38 =	vand.u32 $0x7F, v14;
	v1 =	vmul.f32 v2, v4;
	v4 =	vadd.s32 v24, v17  }
0x105: {  	[tilespmem:$0x1FE30] =	vst v63;
	v63 =	vand.u32 $0xFFFFFF80, v14;
	v39 =	vand.u32 $0xFFFFFF80, v4;
	v4 =	vand.u32 $0x7F, v4  }
0x106: {  	v6 =	vsub.f32 v3, v11;
	v2 =	vsub.f32 v8, v3;
	v3 =	vadd.s32 v30, v17  }
0x107: {  	v8 =	vsub.f32 v9, v12;
	v0 =	vadd.f32 v1, v0;
	v11 =	vadd.s32 v26, v17;
	v26 =	vld [tilespmem:$0x1FF30]  }
0x108: {  	v40 =	vand.u32 $0xFFFFFF80, v3;
	v3 =	vand.u32 $0x7F, v3;
	v1 =	vmul.f32 v2, v6  }
0x109: {  	v2 =	vsub.f32 v7, v9;
	v7 =	vadd.s32 v24, v10;
	v9 =	vadd.s32 v25, v10;
	v24 =	vld [tilespmem:$0x1FF20]  }
0x10a: {  	v12 =	vadd.s32 v30, v10;
	v6 =	vadd.s32 v27, v17;
	[tilespmem:$0x1FD20] =	vst v3;
	v3 =	vand.u32 $0x7F, v9  }
0x10b: {  	v0 =	vadd.f32 v1, v0;
	v1 =	vmul.f32 v2, v8;
	v8 =	vadd.s32 v27, v10;
	v27 =	vld [tilespmem:$0x1FF10]  }
0x10c: {  	v61 =	vld [tilespmem:$0x1FEE0];
	[tilespmem:$0x1FD30] =	vst v4;
	v4 =	vand.u32 $0xFFFFFF80, v9;
	v2 =	vadd.s32 v31, v17;
	v31 =	vadd.s32 v26, v17  }
0x10d: {  	v25 =	vld [tilespmem:$0x1FF00];
	v48 =	vadd.s32 v26, v10;
	v0 =	vadd.f32 v1, v0;
	v1 =	vadd.s32 v35, v17  }
0x10e: {  	v26 =	vand.u32 $0xFFFFFF80, v48;
	v36 =	vadd.s32 v24, v17;
	v5 =	vand.u32 $0xFFFFFF80, v1  }
0x10f: {  	v49 =	vand.u32 $0x7F, v1;
	v1 =	vand.u32 $0x7F, v29;
	v0 =	vadd.f32 $5.000000000e-01, v0  }
0x110: {  	[tilespmem:$0x1FDC0] =	vst v1;
	v1 =	vand.u32 $0x7F, v21;
	v44 =	vadd.s32 v27, v17;
	v51 =	vadd.s32 v27, v10  }
0x111: {  	s0 =	smul.u32 $0xCCCD, s31;
	[tilespmem:$0x1FD40] =	vst v1;
	v1 =	vand.u32 $0x7F, v43;
	v27 =	vand.u32 $0xFFFFFF80, v43;
	v0 =	vmax.f32 v0, $0.0e+00  }
0x112: {  	v23 =	vadd.f32 v0, v61;
	v0 =	vadd.s32 v25, v17;
	v17 =	vadd.s32 v62, v17  }
0x113: {  	s0 =	sshrl.u32 s0, $0x13;
	v43 =	vand.u32 $0x7F, v48;
	v48 =	vand.u32 $0x7F, v17;
	v17 =	vand.u32 $0xFFFFFF80, v17  }
0x114: {  	s1 =	smul.u32 $0xA, s0;
	v9 =	vand.u32 $0xFFFFFF80, v7;
	v14 =	vadd.s32 v22, v4;
	v4 =	vadd.s32 v22, v17;
	v17 =	vld [tilespmem:$0x1FD20]  }
0x115: {  	[tilespmem:$0x1FD50] =	vst v3;
	v3 =	vand.u32 $0x7F, v6;
	v52 =	vadd.s32 v24, v10;
	v10 =	vadd.s32 v25, v10  }
0x116: {  	s1 =	ssub.s32 s31, s1;
	[tilespmem:$0x1FD70] =	vst v3;
	v3 =	vand.u32 $0x7F, v7;
	v7 =	vand.u32 $0x7F, v10;
	v30 =	vand.u32 $0xFFFFFF80, v10  }
0x117: {  	s1 =	sand.u32 $0xFFFF, s1;
	[tilespmem:$0x1FD10] =	vst v1;
	v25 =	vand.u32 $0xFFFFFF80, v0;
	v1 =	vand.u32 $0x7F, v0;
	v0 =	vlaneseq.u32  }
0x118: {  	v10 =	vadd.s32 s1, v0;
	v0 =	vadd.s32 v22, v37;
	v37 =	vadd.s32 v22, v40  }
0x119: {  	v17 =	vor.u32 v17, v37  }
0x11a: {  	[tilespmem:$0x1FDE0] =	vst v17;
	v17 =	vld [tilespmem:$0x1FD30];
	_ =	sdelay $0x3  }
0x11b: {  	v42 =	vand.u32 $0x7F, v34;
	v32 =	vand.u32 $0xFFFFFF80, v34;
	v34 =	vadd.s32 v22, v39  }
0x11c: {  	v17 =	vor.u32 v17, v34  }
0x11d: {  	[tilespmem:$0x1FDF0] =	vst v17;
	v17 =	vld [tilespmem:$0x1FD50];
	_ =	sdelay $0x1  }
0x11e: {  	v59 =	vand.u32 $0xFFFFFF80, v21;
	[tilespmem:$0x1FD80] =	vst v3;
	v3 =	vand.u32 $0x7F, v11;
	v35 =	vand.u32 $0x7F, v13  }
0x11f: {  	v13 =	vand.u32 $0xFFFFFF80, v13;
	v45 =	vand.u32 $0x7F, v31;
	v29 =	vand.u32 $0xFFFFFF80, v29  }
0x120: {  	[tilespmem:$0x1FD60] =	vst v3;
	v21 =	vand.u32 $0xFFFFFF80, v31;
	v31 =	vadd.s32 v22, v13;
	v62 =	vand.u32 $0xFFFFFF80, v2  }
0x121: {  	v13 =	vadd.s32 v22, v62;
	v62 =	vadd.s32 v22, v29;
	v29 =	vor.u32 v17, v14;
	v14 =	vld [tilespmem:$0x1FD60]  }
0x122: {  	v56 =	vand.u32 $0xFFFFFF80, v15  }
0x123: {  	v41 =	vand.u32 $0x7F, v18;
	v50 =	vand.u32 $0x7F, v20;
	v18 =	vand.u32 $0xFFFFFF80, v18  }
0x124: {  	v20 =	vand.u32 $0xFFFFFF80, v20;
	v33 =	vand.u32 $0x7F, v15;
	v11 =	vand.u32 $0xFFFFFF80, v11  }
0x125: {  	v58 =	vand.u32 $0xFFFFFF80, v16;
	v47 =	vand.u32 $0x7F, v16;
	v39 =	vadd.s32 v22, v11  }
0x126: {  	v54 =	vand.u32 $0x7F, v19;
	v57 =	vand.u32 $0xFFFFFF80, v12;
	v14 =	vor.u32 v14, v39  }
0x127: {  	v16 =	vadd.s32 v22, v57;
	v57 =	vadd.s32 v22, v32;
	v6 =	vand.u32 $0xFFFFFF80, v6;
	[tilespmem:$0x1FE00] =	vst v14;
	v14 =	vld [tilespmem:$0x1FD70]  }
0x128: {  	v15 =	vadd.s32 v22, v9;
	v3 =	vand.u32 $0x7F, v12;
	v24 =	vand.u32 $0xFFFFFF80, v55  }
0x129: {  	v12 =	vadd.s32 v22, v6;
	v11 =	vimm.s32 $0x0;
	[tilespmem:$0x1FDB0] =	vst v3;
	v3 =	vand.u32 $0xFFFFFF80, v19  }
0x12a: {  	v19 =	vand.u32 $0x7F, v36;
	v53 =	vand.u32 $0x7F, v52;
	v2 =	vand.u32 $0x7F, v2  }
0x12b: {  	v28 =	vand.u32 $0xFFFFFF80, v52;
	v5 =	vadd.s32 v22, v5;
	v52 =	vadd.s32 v22, v26;
	[tilespmem:$0x1FD90] =	vst v2  }
0x12c: {  	v6 =	vadd.s32 v22, v3;
	v46 =	vand.u32 $0x7F, v44;
	v12 =	vor.u32 v14, v12;
	v14 =	vld [tilespmem:$0x1FD90]  }
0x12d: {  	v44 =	vand.u32 $0xFFFFFF80, v44;
	v60 =	vand.u32 $0x7F, v51;
	v61 =	vand.u32 $0xFFFFFF80, v36  }
0x12e: {  	v36 =	vadd.s32 v22, v58;
	v58 =	vadd.s32 v22, v28;
	v2 =	vand.u32 $0x7F, v8;
	[tilespmem:$0x1FEE0] =	vst v23  }
0x12f: {  	[tilespmem:$0x1FDA0] =	vst v2;
	v2 =	vand.u32 $0xFFFFFF80, v8;
	v23 =	vand.u32 $0xFFFFFF80, v51;
	v8 =	vand.u32 $0x7F, v55  }
0x130: {  	v55 =	vadd.s32 v22, v18;
	v18 =	vadd.s32 v22, v59;
	v51 =	vadd.s32 v22, v61;
	[tilespmem:$0x1FE10] =	vst v12;
	v12 =	vld [tilespmem:$0x1FD80]  }
0x131: {  	v61 =	vadd.s32 v22, v21;
	v9 =	vadd.s32 v22, v25;
	v26 =	vor.u32 v14, v13;
	v13 =	vld [tilespmem:$0x1FDA0]  }
0x132: {  	p0 =	sne.s32 s31, $0x130;
	v40 =	vadd.s32 v22, v2;
	v2 =	vadd.s32 v22, v56;
	vm0 =	vgt.u32 v10, $0x9;
	v14 =	vld [tilespmem:$0x1FDB0]  }
.Ltmp1:
0x133: {  	[tilespmem:$0x1FDD0] =	vst v0;
	v0 =	vadd.s32 v22, v63;
	vm15 =	vgt.u32 v10, $0x13;
	v3 =	vsel vm0, $0x1, v11;
	(pc) =	sbr.rel @p0 .LBB2_5-.Ltmp1, $4  }
0x134: {  	v63 =	vadd.s32 v22, v20;
	v11 =	vsel vm15, $0x1, v11;
	v10 =	vadd.s32 s0, v3  }
0x135: {  	v56 =	vadd.s32 v22, v44;
	v59 =	vadd.s32 v11, v10;
	v10 =	vadd.s32 v22, v24;
	v24 =	vld [tilespmem:$0x1FD10]  }
0x136: {  	v44 =	vadd.s32 v22, v27;
	v3 =	vadd.s32 v22, v23;
	v11 =	vadd.s32 v22, v30;
	v34 =	vld [tilespmem:$0x1FD40]  }
0x137: {  	s31 =	sadd.s32 $0x10, s31;
	v12 =	vor.u32 v12, v15;
	v13 =	vor.u32 v13, v40;
	v14 =	vor.u32 v14, v16;
	v16 =	vld [tilespmem:$0x1FDC0]  }
0x138: {  	_ =	sdelay $0x3  }
0x139: {  	v20 =	vld.idx.msk [tilespmem:v59+s22+$0x0], $0xffff;
	_ =	sdelay $0x1  }
0x13a: {  	v2 =	vor.u32 v33, v2;
	v0 =	vor.u32 v38, v0;
	v38 =	vor.u32 v47, v36;
	v25 =	vld [tilespmem:$0x1FF00]  }
0x13b: {  	v4 =	vor.u32 v48, v4;
	v3 =	vor.u32 v60, v3;
	[tilespmem:$0x1FC50] =	vst v2;
	v2 =	vor.u32 v35, v31  }
0x13c: {  	v35 =	vor.u32 v49, v5;
	v49 =	vor.u32 v54, v6;
	[tilespmem:$0x1FC60] =	vst v2;
	v2 =	vlaneseq.u32  }
0x13d: {  	v27 =	vld [tilespmem:$0x1FF10];
	[tilespmem:$0x1FC70] =	vst v0;
	v0 =	vor.u32 v1, v9;
	v1 =	vor.u32 v7, v11;
	v2 =	vadd.s32 v2, v20  }
0x13e: {  	v28 =	vld [tilespmem:$0x1FF20];
	v5 =	vor.u32 v8, v10;
	v54 =	vshll.u32 v59, $0x7;
	v6 =	vand.u32 $0xFFFFFF80, v2  }
0x13f: {  	v47 =	vld [tilespmem:$0x1FF30];
	v7 =	vadd.s32 v25, v20;
	v2 =	vand.u32 $0x7F, v2;
	v6 =	vadd.s32 v54, v6  }
0x140: {  	v32 =	vld [tilespmem:$0x1FF60];
	v2 =	vor.u32 v2, v6;
	v6 =	vand.u32 $0xFFFFFF80, v7  }
0x141: {  	v31 =	vld [tilespmem:$0x1FF40];
	v7 =	vand.u32 $0x7F, v7;
	v6 =	vadd.s32 v54, v6  }
0x142: {  	v15 =	vor.u32 v45, v61;
	v4 =	vld.idx.msk [tilespmem:v4+s18+$0x0], $0xffff;
	v6 =	vor.u32 v7, v6;
	v7 =	vadd.s32 v27, v20  }
0x143: {  	v17 =	vor.u32 v46, v56;
	v21 =	vor.u32 v43, v52;
	v3 =	vld.idx.msk [tilespmem:v3+s17+$0x0], $0xffff;
	v11 =	vand.u32 $0xFFFFFF80, v7  }
0x144: {  	v8 =	vor.u32 v50, v63;
	v5 =	vld.idx.msk [tilespmem:v5+s17+$0x0], $0xffff;
	v7 =	vand.u32 $0x7F, v7;
	v11 =	vadd.s32 v54, v11  }
0x145: {  	v9 =	vor.u32 v41, v55;
	v59 =	vmov v20;
	v1 =	vld.idx.msk [tilespmem:v1+s17+$0x0], $0xffff;
	v7 =	vor.u32 v7, v11  }
0x146: {  	v20 =	vadd.s32 v28, v20;
	v2 =	vld.idx.msk [tilespmem:v2+s20+$0x0], $0xffff;
	v11 =	vor.u32 v19, v51;
	v19 =	vor.u32 v53, v58  }
0x147: {  	v24 =	vor.u32 v24, v44;
	v10 =	vor.u32 v16, v62;
	v23 =	vand.u32 $0xFFFFFF80, v20;
	v6 =	vld.idx.msk [tilespmem:v6+s20+$0x0], $0xffff  }
0x148: {  	v0 =	vld.idx.msk [tilespmem:v0+s18+$0x0], $0xffff;
	v22 =	vadd.s32 v47, v59;
	v20 =	vand.u32 $0x7F, v20;
	v23 =	vadd.s32 v54, v23  }
0x149: {  	v17 =	vld.idx.msk [tilespmem:v17+s18+$0x0], $0xffff;
	v5 =	vadd.f32 v5, v5;
	v20 =	vor.u32 v20, v23;
	v23 =	vand.u32 $0xFFFFFF80, v22  }
0x14a: {  	v1 =	vadd.f32 v1, v1;
	v22 =	vand.u32 $0x7F, v22;
	v23 =	vadd.s32 v54, v23;
	v7 =	vld.idx.msk [tilespmem:v7+s20+$0x0], $0xffff  }
0x14b: {  	v3 =	vadd.f32 v3, v3;
	v22 =	vor.u32 v22, v23;
	v5 =	vsub.f32 v5, v2;
	v19 =	vld.idx.msk [tilespmem:v19+s17+$0x0], $0xffff  }
0x14c: {  	v23 =	vadd.s32 v31, v59;
	v2 =	vsub.f32 v4, v2;
	v1 =	vsub.f32 v1, v6  }
0x14d: {  	v60 =	vld [tilespmem:$0x1FF70];
	v4 =	vsub.f32 v5, v4;
	v5 =	vand.u32 $0xFFFFFF80, v23;
	v6 =	vsub.f32 v0, v6  }
0x14e: {  	v21 =	vld.idx.msk [tilespmem:v21+s17+$0x0], $0xffff;
	v5 =	vadd.s32 v54, v5;
	v0 =	vsub.f32 v1, v0;
	v1 =	vand.u32 $0x7F, v23  }
0x14f: {  	v2 =	vmul.f32 v4, v2;
	v4 =	vld.idx.msk [tilespmem:v20+s20+$0x0], $0xffff;
	v1 =	vor.u32 v1, v5;
	v3 =	vsub.f32 v3, v7  }
0x150: {  	v61 =	vld [tilespmem:$0x1FF80];
	v5 =	vadd.s32 v32, v59;
	v7 =	vsub.f32 v17, v7;
	v19 =	vadd.f32 v19, v19  }
0x151: {  	v0 =	vmul.f32 v0, v6;
	v6 =	vld.idx.msk [tilespmem:v11+s18+$0x0], $0xffff;
	v11 =	vand.u32 $0xFFFFFF80, v5;
	v2 =	vadd.f32 $0.0e+00, v2  }
0x152: {  	v5 =	vand.u32 $0x7F, v5;
	v3 =	vsub.f32 v3, v17;
	v11 =	vadd.s32 v54, v11;
	v17 =	vld.idx.msk [tilespmem:v22+s20+$0x0], $0xffff  }
0x153: {  	v16 =	vor.u32 v42, v57;
	v20 =	vadd.f32 v21, v21;
	v22 =	vld [tilespmem:$0x1FF50];
	v5 =	vor.u32 v5, v11  }
0x154: {  	v0 =	vadd.f32 v0, v2;
	v2 =	vadd.s32 v60, v59;
	v11 =	vld.idx.msk [tilespmem:v15+s18+$0x0], $0xffff;
	v15 =	vsub.f32 v19, v4  }
0x155: {  	v3 =	vmul.f32 v3, v7;
	v7 =	vand.u32 $0xFFFFFF80, v2;
	v19 =	vld.idx.msk [tilespmem:v24+s17+$0x0], $0xffff;
	v2 =	vand.u32 $0x7F, v2  }
0x156: {  	v7 =	vadd.s32 v54, v7;
	v4 =	vsub.f32 v6, v4;
	v6 =	vsub.f32 v15, v6  }
0x157: {  	v1 =	vld.idx.msk [tilespmem:v1+s20+$0x0], $0xffff;
	v2 =	vor.u32 v2, v7;
	v7 =	vadd.s32 v61, v59;
	v0 =	vadd.f32 v3, v0  }
0x158: {  	v16 =	vld.idx.msk [tilespmem:v16+s17+$0x0], $0xffff;
	v15 =	vsub.f32 v20, v17;
	v3 =	vadd.s32 v22, v59;
	v4 =	vmul.f32 v6, v4  }
0x159: {  	v8 =	vld.idx.msk [tilespmem:v8+s18+$0x0], $0xffff;
	v6 =	vand.u32 $0x7F, v3;
	v17 =	vsub.f32 v11, v17;
	v3 =	vand.u32 $0xFFFFFF80, v3  }
0x15a: {  	v39 =	vld [tilespmem:$0x1FFA0];
	v11 =	vsub.f32 v15, v11;
	v15 =	vand.u32 $0xFFFFFF80, v7;
	v19 =	vadd.f32 v19, v19  }
0x15b: {  	v5 =	vld.idx.msk [tilespmem:v5+s20+$0x0], $0xffff;
	v7 =	vand.u32 $0x7F, v7;
	v3 =	vadd.s32 v54, v3;
	v15 =	vadd.s32 v54, v15  }
0x15c: {  	v3 =	vor.u32 v6, v3;
	v6 =	vor.u32 v7, v15;
	v7 =	vsub.f32 v19, v1  }
0x15d: {  	v9 =	vld.idx.msk [tilespmem:v9+s18+$0x0], $0xffff;
	v16 =	vadd.f32 v16, v16;
	v0 =	vadd.f32 v4, v0;
	v4 =	vmul.f32 v11, v17  }
0x15e: {  	v18 =	vor.u32 v34, v18;
	v1 =	vsub.f32 v8, v1;
	v7 =	vsub.f32 v7, v8  }
0x15f: {  	v37 =	vld [tilespmem:$0x1FF90];
	v0 =	vadd.f32 v4, v0;
	v4 =	vadd.s32 v39, v59  }
0x160: {  	v16 =	vsub.f32 v16, v5;
	v1 =	vmul.f32 v7, v1;
	v7 =	vand.u32 $0xFFFFFF80, v4  }
0x161: {  	v10 =	vld.idx.msk [tilespmem:v10+s17+$0x0], $0xffff;
	v4 =	vand.u32 $0x7F, v4;
	v7 =	vadd.s32 v54, v7  }
0x162: {  	v4 =	vor.u32 v4, v7;
	v7 =	vsub.f32 v16, v9;
	v16 =	vld [tilespmem:$0x1FC50]  }
0x163: {  	v15 =	vld.idx.msk [tilespmem:v18+s17+$0x0], $0xffff  }
0x164: {  	v11 =	vadd.s32 v37, v59;
	v2 =	vld.idx.msk [tilespmem:v2+s20+$0x0], $0xffff  }
0x165: {  	v17 =	vld.idx.msk [tilespmem:v29+s17+$0x0], $0xffff;
	v8 =	vand.u32 $0xFFFFFF80, v11  }
0x166: {  	v29 =	vld [tilespmem:$0x1FFC0];
	v11 =	vand.u32 $0x7F, v11;
	v8 =	vadd.s32 v54, v8  }
0x167: {  	v8 =	vor.u32 v11, v8;
	v11 =	vld.idx.msk [tilespmem:v35+s18+$0x0], $0xffff  }
0x168: {  	v3 =	vld.idx.msk [tilespmem:v3+s20+$0x0], $0xffff  }
0x169: {  	v40 =	vld [tilespmem:$0x1FFE0];
	v5 =	vsub.f32 v9, v5;
	v15 =	vadd.f32 v15, v15  }
0x16a: {  	v10 =	vadd.f32 v10, v10;
	v0 =	vadd.f32 v1, v0;
	v16 =	vld.idx.msk [tilespmem:v16+s18+$0x0], $0xffff  }
0x16b: {  	v1 =	vadd.s32 v29, v59;
	v15 =	vsub.f32 v15, v2;
	v5 =	vmul.f32 v7, v5  }
0x16c: {  	v7 =	vand.u32 $0xFFFFFF80, v1;
	v1 =	vand.u32 $0x7F, v1;
	v2 =	vsub.f32 v11, v2  }
0x16d: {  	v63 =	vld [tilespmem:$0x1FFF0];
	v11 =	vsub.f32 v15, v11;
	v7 =	vadd.s32 v54, v7;
	v10 =	vsub.f32 v10, v3  }
0x16e: {  	v9 =	vadd.s32 v40, v59;
	v1 =	vor.u32 v1, v7;
	v0 =	vadd.f32 v5, v0;
	v5 =	vld [tilespmem:$0x1FC60]  }
0x16f: {  	v7 =	vld [tilespmem:$0x1FC70];
	v2 =	vmul.f32 v11, v2;
	v3 =	vsub.f32 v16, v3;
	v10 =	vsub.f32 v10, v16  }
0x170: {  	v62 =	vld [tilespmem:$0x1FFD0];
	v15 =	vand.u32 $0xFFFFFF80, v9;
	v9 =	vand.u32 $0x7F, v9  }
0x171: {  	v18 =	vld.idx.msk [tilespmem:v49+s17+$0x0], $0xffff;
	v15 =	vadd.s32 v54, v15;
	v0 =	vadd.f32 v2, v0;
	v3 =	vmul.f32 v10, v3  }
0x172: {  	v19 =	vld.idx.msk [tilespmem:v38+s17+$0x0], $0xffff;
	v9 =	vor.u32 v9, v15;
	v15 =	vadd.s32 v63, v59  }
0x173: {  	v2 =	vand.u32 $0xFFFFFF80, v15;
	v0 =	vadd.f32 v3, v0;
	v3 =	vand.u32 $0x7F, v15;
	v15 =	vld [tilespmem:$0x1FE00]  }
0x174: {  	v6 =	vld.idx.msk [tilespmem:v6+s20+$0x0], $0xffff  }
0x175: {  	v8 =	vld.idx.msk [tilespmem:v8+s20+$0x0], $0xffff  }
0x176: {  	v5 =	vld.idx.msk [tilespmem:v5+s18+$0x0], $0xffff  }
0x177: {  	v7 =	vld.idx.msk [tilespmem:v7+s17+$0x0], $0xffff;
	v16 =	vadd.f32 v18, v18  }
0x178: {  	v18 =	vld.idx.msk [tilespmem:v26+s18+$0x0], $0xffff  }
0x179: {  	v4 =	vld.idx.msk [tilespmem:v4+s20+$0x0], $0xffff;
	v16 =	vsub.f32 v16, v6  }
0x17a: {  	v19 =	vadd.f32 v19, v19;
	v11 =	vadd.s32 v62, v59;
	v2 =	vadd.s32 v54, v2  }
0x17b: {  	v10 =	vand.u32 $0xFFFFFF80, v11;
	v6 =	vsub.f32 v5, v6;
	v5 =	vsub.f32 v16, v5;
	v15 =	vld.idx.msk [tilespmem:v15+s18+$0x0], $0xffff  }
0x17c: {  	v2 =	vor.u32 v3, v2;
	v3 =	vadd.f32 v7, v7;
	v7 =	vld.idx.msk [tilespmem:v9+s20+$0x0], $0xffff;
	v9 =	vsub.f32 v19, v8  }
0x17d: {  	v8 =	vsub.f32 v18, v8;
	v5 =	vmul.f32 v5, v6;
	v6 =	vand.u32 $0x7F, v11;
	v11 =	vld [tilespmem:$0x1FE10]  }
0x17e: {  	v9 =	vsub.f32 v9, v18;
	v3 =	vsub.f32 v3, v4  }
0x17f: {  	v13 =	vld.idx.msk [tilespmem:v13+s17+$0x0], $0xffff  }
0x180: {  	v8 =	vmul.f32 v9, v8;
	v9 =	vld [tilespmem:$0x1FDE0];
	v4 =	vsub.f32 v15, v4;
	v3 =	vsub.f32 v3, v15  }
0x181: {  	v16 =	vld [tilespmem:$0x1FDD0]  }
0x182: {  	v10 =	vadd.s32 v54, v10;
	v3 =	vmul.f32 v3, v4;
	v4 =	vld [tilespmem:$0x1FDF0]  }
0x183: {  	v6 =	vor.u32 v6, v10;
	v10 =	vld [tilespmem:$0x1FE30]  }
0x184: {  	v14 =	vld.idx.msk [tilespmem:v14+s17+$0x0], $0xffff  }
0x185: {  	v11 =	vld.idx.msk [tilespmem:v11+s18+$0x0], $0xffff  }
0x186: {  	v1 =	vld.idx.msk [tilespmem:v1+s20+$0x0], $0xffff  }
0x187: {  	v0 =	vadd.f32 v5, v0;
	v5 =	vld.idx.msk [tilespmem:v12+s17+$0x0], $0xffff;
	v12 =	vadd.f32 v13, v13  }
0x188: {  	v10 =	vor.u32 v10, v16;
	v9 =	vld.idx.msk [tilespmem:v9+s18+$0x0], $0xffff  }
0x189: {  	v13 =	vadd.f32 v14, v14;
	v2 =	vld.idx.msk [tilespmem:v2+s20+$0x0], $0xffff;
	v12 =	vsub.f32 v12, v7  }
0x18a: {  	v0 =	vadd.f32 v8, v0;
	v7 =	vsub.f32 v11, v7;
	v4 =	vld.idx.msk [tilespmem:v4+s18+$0x0], $0xffff  }
0x18b: {  	v6 =	vld.idx.msk [tilespmem:v6+s20+$0x0], $0xffff;
	v8 =	vsub.f32 v12, v11;
	v11 =	vsub.f32 v13, v1  }
0x18c: {  	v0 =	vadd.f32 v3, v0;
	v3 =	vadd.f32 v5, v5  }
0x18d: {  	v5 =	vmul.f32 v8, v7;
	v8 =	vld.idx.msk [tilespmem:v10+s18+$0x0], $0xffff;
	v1 =	vsub.f32 v9, v1;
	v7 =	vsub.f32 v11, v9  }
0x18e: {  	v9 =	vadd.f32 v17, v17;
	v3 =	vsub.f32 v3, v2  }
0x18f: {  	v0 =	vadd.f32 v5, v0;
	v1 =	vmul.f32 v7, v1;
	v2 =	vsub.f32 v4, v2  }
0x190: {  	v3 =	vsub.f32 v3, v4;
	v4 =	vsub.f32 v9, v6  }
0x191: {  	v0 =	vadd.f32 v1, v0  }
0x192: {  	v1 =	vmul.f32 v3, v2;
	v2 =	vsub.f32 v8, v6;
	v3 =	vsub.f32 v4, v8;
	_ =	sdelay $0x1  }
0x193: {  	v0 =	vadd.f32 v1, v0;
	v1 =	vmul.f32 v3, v2  }
0x194: {  	s28 =	sadd.s32 $0x1, s28  }
0x195: {  	p0 =	sne.s32 s28, $0x14;
	v0 =	vadd.f32 v1, v0;
	v1 =	vld [tilespmem:$0x1FEE0]  }
.Ltmp2:
0x196: {  	_ = 	snop;
	(pc) =	sbr.rel @p0 .LBB2_2-.Ltmp2, $4  }
0x197: {  	v44 =	vmovc v28;
	v23 =	vmov v25;
	v24 =	vimm.s32 $0x0;
	v0 =	vadd.f32 $5.000000000e-01, v0  }
0x198: {  	v26 =	vlaneseq.u32;
	v19 =	vmovc v27;
	v27 =	vmovc v40;
	v18 =	vmov v62;
	v16 =	vmov v60  }
0x199: {  	v20 =	vld [tilespmem:$0x1FEF0];
	v15 =	vmovc v32;
	v13 =	vmovc v29;
	v29 =	vmov v63;
	v10 =	vmov v39;
	v0 =	vmax.f32 v0, $0.0e+00  }
0x19a: {  	s26 =	sadd.s32 $0xFFFFFEC0, s26;
	s25 =	sadd.s32 $0x140, s25;
	v59 =	vld [tilespmem:$0x1FFB0];
	v9 =	vmovc v31;
	v31 =	vmovc v22;
	v6 =	vmov v61;
	v8 =	vmov v37;
	v0 =	vadd.f32 v0, v1  }
0x19b: {  	_ = 	snop  }
0x19c: {  	s0 =	simm.s32 $0x0;
	s1 =	rddreg [dreg:$0x2];
	s3 =	simm.s32 $0x15700;
	[tilespmem:$0x15700] =	vst v0  }
0x19d: {  	[hbm4b:s1+s0] =	stream.linear.scatter [tilespmem:s3], [sflag:$0x2], $0x80, $0x38;
	[tilespmem:$0x15780] =	vst v63  }
0x19e: {  	_ =	swait.ge [sflag:s13], $0x80  }
0x19f: {  	s24 =	sadd.s32 $0x1, s24;
	s31 =	rddreg [dreg:$0x3]  }
0x1a0: {  	p0 =	sne.s32 s24, s31  }
.Ltmp3:
0x1a1: {  	_ = 	snop;
	(pc) =	sbr.rel @p0 .LBB2_1-.Ltmp3, $3  }
0x1a2: {  	_ =	sdelay $0x1  }
0x1a3: {  	[sflag:s13] =	ssyncset.done $0x0  }
0x1a4: {  	[sflag:s13] =	ssyncadd.s32 $0xFFFFFF80  }
0x1a5: {  	_ =	sfence.sel $0x180000  }
0x1a6: {  	[bflag:$0x0] =	sbarrier.arrive $0xFFFF  }
0x1a7: {  	_ =	strace $0x90000047  }
0x1a8: {  	s0 =	stileid.u32;
	[bflag:$0x2] =	sbarrier.arrive $0xFFFF  }
0x1a9: {  	p0 =	sne.s32 s0, $0x0;
	s0 =	rddreg [dreg:$0x1]  }
0x1aa: {  	s0 =	sadd.s32 @!p0 $0x100000, s0  }
0x1ab: {  	[sflag:s0] =	ssyncadd.tile.s32 @!p0 $0x1;
	_ =	shalt  }
.Lfunc_end2:
_tile_overlayer_lowered:
.L_overlay_start_2:
0x1ac: {  	(tag) =	ssettag $0x2  }
0x1ad: {  	s0 =	rddreg [dreg:$0x0];
	s2 =	stileid.u32  }
0x1ae: {  	s1 =	rddreg [dreg:$0x1];
	p0 =	sne.s32 s2, $0x0  }
0x1af: {  	s3 =	rddreg [dreg:$0x2];
	[bflag:$0x3] =	sbarrier.arrive $0xFFFF;
	s2 =	simm.s32 @!p0 $0x1C02  }
0x1b0: {  	[timem:s3], [sflag:s2] =	dma.local @!p0 [hbm:s0], s1  }
0x1b1: {  	s0 =	simm.s32 @!p0 $0x2  }
0x1b2: {  	_ =	swait.ge @!p0 [sflag:s0], s1  }
0x1b3: {  	s1 =	ssub.s32 @!p0 $0x0, s1;
	[sflag:s0] =	ssyncset.done @!p0 $0x0  }
0x1b4: {  	[sflag:s0] =	ssyncadd.s32 @!p0 s1  }
0x1b5: {  	[bflag:$0x3] =	sbarrier.arrive $0xFFFF  }
0x1b6: {  	_ =	shalt  }

</sc_bundles>
